<compile_context>
chip_gen: v7x
topology: tpu7x:2x2x1
jax: 0.10.2.dev20260603
libtpu: 0.0.44.dev20260713+nightly
codegen_flags: <defaults>
</compile_context>

<pallas_src>
import functools

import jax
import jax.numpy as jnp
from jax import lax
from jax.experimental import pallas as pl
from jax.experimental.pallas import tpu as pltpu
from jax.experimental.pallas import tpu_sc as plsc

_FULL = (100000, 128)
_N = _FULL[0] * _FULL[1]
_NC = 2
_NS = 16
_NW = _NC * _NS
_PER_W = _N // _NW
_CHUNK = 10_000
_NCHUNK = _PER_W // _CHUNK
_SP = 8_800
_HB = _CHUNK - _SP

_BANK = 1_280_000
_BANK_SLICE = _BANK // _NS

_mesh = plsc.VectorSubcoreMesh(core_axis_name="c", subcore_axis_name="s")


@functools.partial(
    pl.kernel,
    mesh=_mesh,
    out_type=jax.ShapeDtypeStruct((_N,), jnp.float32),
    scratch_types=[
        pltpu.VMEM((_CHUNK,), jnp.int32),
        pltpu.VMEM((_CHUNK,), jnp.int32),
        pltpu.VMEM((_CHUNK,), jnp.float32),
        pltpu.VMEM((_CHUNK,), jnp.float32),
        pltpu.VMEM_SHARED((_BANK,), jnp.float32),
        pltpu.SemaphoreType.DMA,
        pltpu.SemaphoreType.DMA,
        pltpu.SemaphoreType.DMA,
        pltpu.SemaphoreType.DMA,
        pltpu.SemaphoreType.DMA,
        pltpu.SemaphoreType.DMA,
        pltpu.SemaphoreType.DMA,
        pltpu.SemaphoreType.DMA,
        pltpu.SemaphoreType.DMA,
        pltpu.SemaphoreType.DMA,
    ],
)
def _gather_kernel(bank_hbm, idx_hbm, out_hbm, idx_v0, idx_v1, val_v0, val_v1,
                   bank_sp, sa0, sa1, sb0, sb1, sb20, sb21, sh0, sh1, sc0, sc1):
    sid = lax.axis_index("s")
    wid = sid * _NC + lax.axis_index("c")
    base = wid * _PER_W
    idx_v = (idx_v0, idx_v1)
    val_v = (val_v0, val_v1)
    sa = (sa0, sa1)
    sb = (sb0, sb1)
    sb2 = (sb20, sb21)
    sh = (sh0, sh1)
    sc = (sc0, sc1)

    def start_a(g, b):
        pltpu.async_copy(idx_hbm.at[pl.ds(base + g * _CHUNK, _CHUNK)],
                         idx_v[b], sa[b])

    def wait_a(b):
        pltpu.make_async_copy(idx_hbm.at[pl.ds(base, _CHUNK)],
                              idx_v[b], sa[b]).wait()

    _H1 = _SP // 2

    def start_b_hbm(b):
        pltpu.async_copy(bank_hbm.at[idx_v[b].at[pl.ds(_SP, _HB)]],
                         val_v[b].at[pl.ds(_SP, _HB)], sh[b])

    def start_b_sp(b):
        pltpu.async_copy(bank_sp.at[idx_v[b].at[pl.ds(0, _H1)]],
                         val_v[b].at[pl.ds(0, _H1)], sb[b])
        pltpu.async_copy(bank_sp.at[idx_v[b].at[pl.ds(_H1, _SP - _H1)]],
                         val_v[b].at[pl.ds(_H1, _SP - _H1)], sb2[b])

    def start_b(b):
        start_b_sp(b)
        start_b_hbm(b)

    def wait_b(b):
        pltpu.make_async_copy(bank_sp.at[idx_v[b].at[pl.ds(0, _H1)]],
                              val_v[b].at[pl.ds(0, _H1)], sb[b]).wait()
        pltpu.make_async_copy(bank_sp.at[idx_v[b].at[pl.ds(_H1, _SP - _H1)]],
                              val_v[b].at[pl.ds(_H1, _SP - _H1)], sb2[b]).wait()
        pltpu.make_async_copy(bank_hbm.at[idx_v[b].at[pl.ds(_SP, _HB)]],
                              val_v[b].at[pl.ds(_SP, _HB)], sh[b]).wait()

    def start_c(g, b):
        pltpu.async_copy(val_v[b],
                         out_hbm.at[pl.ds(base + g * _CHUNK, _CHUNK)], sc[b])

    def wait_c(b):
        pltpu.make_async_copy(val_v[b],
                              out_hbm.at[pl.ds(base, _CHUNK)], sc[b]).wait()

    start_a(0, 0)
    start_a(1, 1)
    pltpu.sync_copy(bank_hbm.at[pl.ds(sid * _BANK_SLICE, _BANK_SLICE)],
                    bank_sp.at[pl.ds(sid * _BANK_SLICE, _BANK_SLICE)])
    wait_a(0)
    start_b_hbm(0)
    plsc.subcore_barrier()
    start_b_sp(0)
    wait_b(0)
    start_c(0, 0)
    start_a(2, 0)
    wait_a(1)
    start_b(1)

    def body(j, carry):
        g0 = 2 * j
        g1 = g0 + 1
        wait_b(1)
        start_c(g1 - 2, 1)
        start_a(g1, 1)
        wait_a(0)
        wait_c(0)
        start_b(0)
        wait_b(0)
        start_c(g0, 0)

        @pl.when(g1 + 1 < _NCHUNK)
        def _():
            start_a(g1 + 1, 0)

        wait_a(1)
        wait_c(1)
        start_b(1)
        return carry

    lax.fori_loop(1, _NCHUNK // 2, body, 0)

    wait_b(1)
    start_c(_NCHUNK - 1, 1)
    wait_c(0)
    wait_c(1)


def kernel(bank, weight_alloc):
    idx = weight_alloc.reshape(-1).astype(jnp.int32)
    out = _gather_kernel(bank, idx)
    return out.reshape(_FULL)

# --- scband reference (transcript-rebuilt; emitter-appended) ---
"""Pipeline reference for scband-tied-tensor-10110353014930 (READ-ONLY COPY).

The authoritative reference and input builder live on the scoring server;
editing this copy changes nothing except your own understanding.
"""

import jax, jax.numpy as jnp
import numpy as np

FULL = (100000, 128)
INITIAL_SPARSITY = 0.9

def _build_weight_alloc(n_alloc, num_weights):
    # uniform_coverage: tile arange(num_weights) across n_alloc slots
    reps = np.zeros(n_alloc, dtype=np.int64)
    pe = np.arange(num_weights, dtype=np.int64)
    for i in range(0, n_alloc, num_weights):
        reps[i:i + num_weights] = pe[:min(num_weights, n_alloc - i)]
    rng = np.random.RandomState(0)
    indices = np.arange(n_alloc)
    rng.shuffle(indices)
    wa = np.zeros(n_alloc, dtype=np.int64)
    wa[indices] = reps
    return wa

def setup_inputs(seed: int = 0) -> dict:
    n_alloc = FULL[0] * FULL[1]  # ndim==2, sub_kernel_granularity False -> prod(full[:2]) == prod(full)
    num_weights = round((1.0 - INITIAL_SPARSITY) * n_alloc)  # 1,280,000 unique weights
    wa = _build_weight_alloc(n_alloc, num_weights)
    key = jax.random.key(seed)
    stdv = 1.0 / np.sqrt(float(FULL[1]))  # 1/sqrt(prod(full[1:]))
    bank = jax.random.uniform(key, (num_weights,), minval=-stdv, maxval=stdv, dtype=jnp.float32)
    bank = bank.at[0].set(0.0)
    return {"bank": bank, "weight_alloc": jnp.asarray(wa, dtype=jnp.int64)}

def reference(bank, weight_alloc):
    # TiedTensor.forward: self.bank[self.weight_alloc].view(self.full_tensor_size)
    return jnp.take(bank, weight_alloc, axis=0).reshape(FULL)

if __name__ == "__main__":
    import jax
    _d = setup_inputs()
    print(jax.jit(kernel)(*tuple(_d.values())))

</pallas_src>

<mosaic_0001>
#map = affine_map<(d0, d1) -> (0)>
module attributes {stable_mosaic.version = 14 : i64} {
  func.func @_gather_kernel(%arg0: i32, %arg1: i32, %arg2: memref<1280000xf32, #tpu.memory_space<hbm>>, %arg3: memref<12800000xi32, #tpu.memory_space<hbm>>, %arg4: memref<12800000xf32, #tpu.memory_space<hbm>>, %arg5: memref<10000xi32, #tpu.memory_space<vmem>>, %arg6: memref<10000xi32, #tpu.memory_space<vmem>>, %arg7: memref<10000xf32, #tpu.memory_space<vmem>>, %arg8: memref<10000xf32, #tpu.memory_space<vmem>>, %arg9: memref<1280000xf32, #tpu.memory_space<vmem_shared>>, %arg10: memref<!tpu.dma_semaphore, #tpu.memory_space<semaphore_mem>>, %arg11: memref<!tpu.dma_semaphore, #tpu.memory_space<semaphore_mem>>, %arg12: memref<!tpu.dma_semaphore, #tpu.memory_space<semaphore_mem>>, %arg13: memref<!tpu.dma_semaphore, #tpu.memory_space<semaphore_mem>>, %arg14: memref<!tpu.dma_semaphore, #tpu.memory_space<semaphore_mem>>, %arg15: memref<!tpu.dma_semaphore, #tpu.memory_space<semaphore_mem>>, %arg16: memref<!tpu.dma_semaphore, #tpu.memory_space<semaphore_mem>>, %arg17: memref<!tpu.dma_semaphore, #tpu.memory_space<semaphore_mem>>, %arg18: memref<!tpu.dma_semaphore, #tpu.memory_space<semaphore_mem>>, %arg19: memref<!tpu.dma_semaphore, #tpu.memory_space<semaphore_mem>>) attributes {dimension_semantics = [#tpu.dimension_semantics<core_parallel>, #tpu.dimension_semantics<subcore_parallel>], iteration_bounds = array<i64: 2, 16>, scalar_prefetch = 0 : i64, scratch_operands = 15 : i64, tpu.core_type = #tpu.core_type<sc_vector_subcore>, window_params = [{transform_indices = #map}, {transform_indices = #map}, {transform_indices = #map}]} {
    %mul3A = arith.constant 2 : i32
    %mul3A_0 = arith.muli %arg1, %mul3A : i32
    %add3A = arith.addi %mul3A_0, %arg0 : i32
    %mul3A_1 = arith.constant 400000 : i32
    %mul3A_2 = arith.muli %add3A, %mul3A_1 : i32
    %add3A_3 = arith.constant 0 : i32
    %add3A_4 = arith.addi %mul3A_2, %add3A_3 : i32
    %dma_start3A = tpu.memref_slice %arg3[%add3A_4] : memref<12800000xi32, #tpu.memory_space<hbm>> -> memref<10000xi32, #tpu.memory_space<hbm>>
    %dma_start3A_5 = tpu.memref_slice %arg3[%add3A_4] : memref<12800000xi32, #tpu.memory_space<hbm>> -> memref<10000xi32, #tpu.memory_space<hbm>>
    tpu.enqueue_dma source(%dma_start3A_5 : memref<10000xi32, #tpu.memory_space<hbm>>) target(%arg5 : memref<10000xi32, #tpu.memory_space<vmem>>) target_semaphore(%arg10 : memref<!tpu.dma_semaphore, #tpu.memory_space<semaphore_mem>>)
    %add3A_6 = arith.constant 10000 : i32
    %add3A_7 = arith.addi %mul3A_2, %add3A_6 : i32
    %dma_start3A_8 = tpu.memref_slice %arg3[%add3A_7] : memref<12800000xi32, #tpu.memory_space<hbm>> -> memref<10000xi32, #tpu.memory_space<hbm>>
    %dma_start3A_9 = tpu.memref_slice %arg3[%add3A_7] : memref<12800000xi32, #tpu.memory_space<hbm>> -> memref<10000xi32, #tpu.memory_space<hbm>>
    tpu.enqueue_dma source(%dma_start3A_9 : memref<10000xi32, #tpu.memory_space<hbm>>) target(%arg6 : memref<10000xi32, #tpu.memory_space<vmem>>) target_semaphore(%arg11 : memref<!tpu.dma_semaphore, #tpu.memory_space<semaphore_mem>>)
    %mul3A_10 = arith.constant 80000 : i32
    %mul3A_11 = arith.muli %arg1, %mul3A_10 : i32
    %mul3A_12 = arith.constant 80000 : i32
    %mul3A_13 = arith.muli %arg1, %mul3A_12 : i32
    "tpu.region"() ({
      %run_scoped3A = tpu.sem_alloc : memref<!tpu.dma_semaphore, #tpu.memory_space<semaphore_mem>>
      %dma_start3A_110 = tpu.memref_slice %arg9[%mul3A_13] : memref<1280000xf32, #tpu.memory_space<vmem_shared>> -> memref<80000xf32, #tpu.memory_space<vmem_shared>>
      %dma_start3A_111 = tpu.memref_slice %arg2[%mul3A_11] : memref<1280000xf32, #tpu.memory_space<hbm>> -> memref<80000xf32, #tpu.memory_space<hbm>>
      tpu.enqueue_dma source(%dma_start3A_111 : memref<80000xf32, #tpu.memory_space<hbm>>) target(%dma_start3A_110 : memref<80000xf32, #tpu.memory_space<vmem_shared>>) target_semaphore(%run_scoped3A : memref<!tpu.dma_semaphore, #tpu.memory_space<semaphore_mem>>)
      %dma_wait3A_112 = tpu.memref_slice %arg9[%mul3A_13] : memref<1280000xf32, #tpu.memory_space<vmem_shared>> -> memref<80000xf32, #tpu.memory_space<vmem_shared>>
      %dma_wait3A_113 = tpu.memref_slice %arg2[%mul3A_11] : memref<1280000xf32, #tpu.memory_space<hbm>> -> memref<80000xf32, #tpu.memory_space<hbm>>
      tpu.wait_dma2 semaphore(%run_scoped3A : memref<!tpu.dma_semaphore, #tpu.memory_space<semaphore_mem>>) src(%dma_wait3A_113 : memref<80000xf32, #tpu.memory_space<hbm>>) dst(%dma_wait3A_112 : memref<80000xf32, #tpu.memory_space<vmem_shared>>)
      tpu.yield
    }) : () -> ()
    %dma_wait3A = tpu.memref_slice %arg3[%mul3A_2] : memref<12800000xi32, #tpu.memory_space<hbm>> -> memref<10000xi32, #tpu.memory_space<hbm>>
    %dma_wait3A_14 = tpu.memref_slice %arg3[%mul3A_2] : memref<12800000xi32, #tpu.memory_space<hbm>> -> memref<10000xi32, #tpu.memory_space<hbm>>
    tpu.wait_dma2 semaphore(%arg10 : memref<!tpu.dma_semaphore, #tpu.memory_space<semaphore_mem>>) src(%dma_wait3A_14 : memref<10000xi32, #tpu.memory_space<hbm>>) dst(%arg5 : memref<10000xi32, #tpu.memory_space<vmem>>)
    %dma_start3A_15 = arith.constant 8800 : i32
    %dma_start3A_16 = tpu.memref_slice %arg7[%dma_start3A_15] : memref<10000xf32, #tpu.memory_space<vmem>> -> memref<1200xf32, #tpu.memory_space<vmem>>
    %dma_start3A_17 = arith.constant 8800 : i32
    %dma_start3A_18 = tpu.memref_slice %arg5[%dma_start3A_17] : memref<10000xi32, #tpu.memory_space<vmem>> -> memref<1200xi32, #tpu.memory_space<vmem>>
    %dma_start3A_19 = arith.constant 0 : i32
    %dma_start3A_20 = tpu.memref_slice %arg2[%dma_start3A_19] : memref<1280000xf32, #tpu.memory_space<hbm>> -> memref<1280000xf32, #tpu.memory_space<hbm>>
    tpu.enqueue_indirect_dma source(%dma_start3A_20 : memref<1280000xf32, #tpu.memory_space<hbm>>) target(%dma_start3A_16 : memref<1200xf32, #tpu.memory_space<vmem>>) offsets(%dma_start3A_18 : memref<1200xi32, #tpu.memory_space<vmem>>) semaphore(%arg16 : memref<!tpu.dma_semaphore, #tpu.memory_space<semaphore_mem>>)
    %barrier3A = arith.constant 0 : index
    tpu.barrier barrier_id(%barrier3A)
    %dma_start3A_21 = arith.constant 0 : i32
    %dma_start3A_22 = tpu.memref_slice %arg7[%dma_start3A_21] : memref<10000xf32, #tpu.memory_space<vmem>> -> memref<4400xf32, #tpu.memory_space<vmem>>
    %dma_start3A_23 = arith.constant 0 : i32
    %dma_start3A_24 = tpu.memref_slice %arg5[%dma_start3A_23] : memref<10000xi32, #tpu.memory_space<vmem>> -> memref<4400xi32, #tpu.memory_space<vmem>>
    %dma_start3A_25 = arith.constant 0 : i32
    %dma_start3A_26 = tpu.memref_slice %arg9[%dma_start3A_25] : memref<1280000xf32, #tpu.memory_space<vmem_shared>> -> memref<1280000xf32, #tpu.memory_space<vmem_shared>>
    tpu.enqueue_indirect_dma source(%dma_start3A_26 : memref<1280000xf32, #tpu.memory_space<vmem_shared>>) target(%dma_start3A_22 : memref<4400xf32, #tpu.memory_space<vmem>>) offsets(%dma_start3A_24 : memref<4400xi32, #tpu.memory_space<vmem>>) semaphore(%arg12 : memref<!tpu.dma_semaphore, #tpu.memory_space<semaphore_mem>>)
    %dma_start3A_27 = arith.constant 4400 : i32
    %dma_start3A_28 = tpu.memref_slice %arg7[%dma_start3A_27] : memref<10000xf32, #tpu.memory_space<vmem>> -> memref<4400xf32, #tpu.memory_space<vmem>>
    %dma_start3A_29 = arith.constant 4400 : i32
    %dma_start3A_30 = tpu.memref_slice %arg5[%dma_start3A_29] : memref<10000xi32, #tpu.memory_space<vmem>> -> memref<4400xi32, #tpu.memory_space<vmem>>
    %dma_start3A_31 = arith.constant 0 : i32
    %dma_start3A_32 = tpu.memref_slice %arg9[%dma_start3A_31] : memref<1280000xf32, #tpu.memory_space<vmem_shared>> -> memref<1280000xf32, #tpu.memory_space<vmem_shared>>
    tpu.enqueue_indirect_dma source(%dma_start3A_32 : memref<1280000xf32, #tpu.memory_space<vmem_shared>>) target(%dma_start3A_28 : memref<4400xf32, #tpu.memory_space<vmem>>) offsets(%dma_start3A_30 : memref<4400xi32, #tpu.memory_space<vmem>>) semaphore(%arg14 : memref<!tpu.dma_semaphore, #tpu.memory_space<semaphore_mem>>)
    %dma_wait3A_33 = arith.constant 0 : i32
    %dma_wait3A_34 = tpu.memref_slice %arg7[%dma_wait3A_33] : memref<10000xf32, #tpu.memory_space<vmem>> -> memref<4400xf32, #tpu.memory_space<vmem>>
    %dma_wait3A_35 = arith.constant 0 : i32
    %dma_wait3A_36 = tpu.memref_slice %arg5[%dma_wait3A_35] : memref<10000xi32, #tpu.memory_space<vmem>> -> memref<4400xi32, #tpu.memory_space<vmem>>
    %dma_wait3A_37 = arith.constant 0 : i32
    %dma_wait3A_38 = tpu.memref_slice %arg9[%dma_wait3A_37] : memref<1280000xf32, #tpu.memory_space<vmem_shared>> -> memref<1280000xf32, #tpu.memory_space<vmem_shared>>
    tpu.wait_indirect_dma semaphore(%arg12 : memref<!tpu.dma_semaphore, #tpu.memory_space<semaphore_mem>>) src(%dma_wait3A_38 : memref<1280000xf32, #tpu.memory_space<vmem_shared>>) dst(%dma_wait3A_34 : memref<4400xf32, #tpu.memory_space<vmem>>)
    %dma_wait3A_39 = arith.constant 4400 : i32
    %dma_wait3A_40 = tpu.memref_slice %arg7[%dma_wait3A_39] : memref<10000xf32, #tpu.memory_space<vmem>> -> memref<4400xf32, #tpu.memory_space<vmem>>
    %dma_wait3A_41 = arith.constant 4400 : i32
    %dma_wait3A_42 = tpu.memref_slice %arg5[%dma_wait3A_41] : memref<10000xi32, #tpu.memory_space<vmem>> -> memref<4400xi32, #tpu.memory_space<vmem>>
    %dma_wait3A_43 = arith.constant 0 : i32
    %dma_wait3A_44 = tpu.memref_slice %arg9[%dma_wait3A_43] : memref<1280000xf32, #tpu.memory_space<vmem_shared>> -> memref<1280000xf32, #tpu.memory_space<vmem_shared>>
    tpu.wait_indirect_dma semaphore(%arg14 : memref<!tpu.dma_semaphore, #tpu.memory_space<semaphore_mem>>) src(%dma_wait3A_44 : memref<1280000xf32, #tpu.memory_space<vmem_shared>>) dst(%dma_wait3A_40 : memref<4400xf32, #tpu.memory_space<vmem>>)
    %dma_wait3A_45 = arith.constant 8800 : i32
    %dma_wait3A_46 = tpu.memref_slice %arg7[%dma_wait3A_45] : memref<10000xf32, #tpu.memory_space<vmem>> -> memref<1200xf32, #tpu.memory_space<vmem>>
    %dma_wait3A_47 = arith.constant 8800 : i32
    %dma_wait3A_48 = tpu.memref_slice %arg5[%dma_wait3A_47] : memref<10000xi32, #tpu.memory_space<vmem>> -> memref<1200xi32, #tpu.memory_space<vmem>>
    %dma_wait3A_49 = arith.constant 0 : i32
    %dma_wait3A_50 = tpu.memref_slice %arg2[%dma_wait3A_49] : memref<1280000xf32, #tpu.memory_space<hbm>> -> memref<1280000xf32, #tpu.memory_space<hbm>>
    tpu.wait_indirect_dma semaphore(%arg16 : memref<!tpu.dma_semaphore, #tpu.memory_space<semaphore_mem>>) src(%dma_wait3A_50 : memref<1280000xf32, #tpu.memory_space<hbm>>) dst(%dma_wait3A_46 : memref<1200xf32, #tpu.memory_space<vmem>>)
    %add3A_51 = arith.constant 0 : i32
    %add3A_52 = arith.addi %mul3A_2, %add3A_51 : i32
    %dma_start3A_53 = tpu.memref_slice %arg4[%add3A_52] : memref<12800000xf32, #tpu.memory_space<hbm>> -> memref<10000xf32, #tpu.memory_space<hbm>>
    %dma_start3A_54 = tpu.memref_slice %arg4[%add3A_52] : memref<12800000xf32, #tpu.memory_space<hbm>> -> memref<10000xf32, #tpu.memory_space<hbm>>
    tpu.enqueue_dma source(%arg7 : memref<10000xf32, #tpu.memory_space<vmem>>) target(%dma_start3A_54 : memref<10000xf32, #tpu.memory_space<hbm>>) target_semaphore(%arg18 : memref<!tpu.dma_semaphore, #tpu.memory_space<semaphore_mem>>)
    %add3A_55 = arith.constant 20000 : i32
    %add3A_56 = arith.addi %mul3A_2, %add3A_55 : i32
    %dma_start3A_57 = tpu.memref_slice %arg3[%add3A_56] : memref<12800000xi32, #tpu.memory_space<hbm>> -> memref<10000xi32, #tpu.memory_space<hbm>>
    %dma_start3A_58 = tpu.memref_slice %arg3[%add3A_56] : memref<12800000xi32, #tpu.memory_space<hbm>> -> memref<10000xi32, #tpu.memory_space<hbm>>
    tpu.enqueue_dma source(%dma_start3A_58 : memref<10000xi32, #tpu.memory_space<hbm>>) target(%arg5 : memref<10000xi32, #tpu.memory_space<vmem>>) target_semaphore(%arg10 : memref<!tpu.dma_semaphore, #tpu.memory_space<semaphore_mem>>)
    %dma_wait3A_59 = tpu.memref_slice %arg3[%mul3A_2] : memref<12800000xi32, #tpu.memory_space<hbm>> -> memref<10000xi32, #tpu.memory_space<hbm>>
    %dma_wait3A_60 = tpu.memref_slice %arg3[%mul3A_2] : memref<12800000xi32, #tpu.memory_space<hbm>> -> memref<10000xi32, #tpu.memory_space<hbm>>
    tpu.wait_dma2 semaphore(%arg11 : memref<!tpu.dma_semaphore, #tpu.memory_space<semaphore_mem>>) src(%dma_wait3A_60 : memref<10000xi32, #tpu.memory_space<hbm>>) dst(%arg6 : memref<10000xi32, #tpu.memory_space<vmem>>)
    %dma_start3A_61 = arith.constant 0 : i32
    %dma_start3A_62 = tpu.memref_slice %arg8[%dma_start3A_61] : memref<10000xf32, #tpu.memory_space<vmem>> -> memref<4400xf32, #tpu.memory_space<vmem>>
    %dma_start3A_63 = arith.constant 0 : i32
    %dma_start3A_64 = tpu.memref_slice %arg6[%dma_start3A_63] : memref<10000xi32, #tpu.memory_space<vmem>> -> memref<4400xi32, #tpu.memory_space<vmem>>
    %dma_start3A_65 = arith.constant 0 : i32
    %dma_start3A_66 = tpu.memref_slice %arg9[%dma_start3A_65] : memref<1280000xf32, #tpu.memory_space<vmem_shared>> -> memref<1280000xf32, #tpu.memory_space<vmem_shared>>
    tpu.enqueue_indirect_dma source(%dma_start3A_66 : memref<1280000xf32, #tpu.memory_space<vmem_shared>>) target(%dma_start3A_62 : memref<4400xf32, #tpu.memory_space<vmem>>) offsets(%dma_start3A_64 : memref<4400xi32, #tpu.memory_space<vmem>>) semaphore(%arg13 : memref<!tpu.dma_semaphore, #tpu.memory_space<semaphore_mem>>)
    %dma_start3A_67 = arith.constant 4400 : i32
    %dma_start3A_68 = tpu.memref_slice %arg8[%dma_start3A_67] : memref<10000xf32, #tpu.memory_space<vmem>> -> memref<4400xf32, #tpu.memory_space<vmem>>
    %dma_start3A_69 = arith.constant 4400 : i32
    %dma_start3A_70 = tpu.memref_slice %arg6[%dma_start3A_69] : memref<10000xi32, #tpu.memory_space<vmem>> -> memref<4400xi32, #tpu.memory_space<vmem>>
    %dma_start3A_71 = arith.constant 0 : i32
    %dma_start3A_72 = tpu.memref_slice %arg9[%dma_start3A_71] : memref<1280000xf32, #tpu.memory_space<vmem_shared>> -> memref<1280000xf32, #tpu.memory_space<vmem_shared>>
    tpu.enqueue_indirect_dma source(%dma_start3A_72 : memref<1280000xf32, #tpu.memory_space<vmem_shared>>) target(%dma_start3A_68 : memref<4400xf32, #tpu.memory_space<vmem>>) offsets(%dma_start3A_70 : memref<4400xi32, #tpu.memory_space<vmem>>) semaphore(%arg15 : memref<!tpu.dma_semaphore, #tpu.memory_space<semaphore_mem>>)
    %dma_start3A_73 = arith.constant 8800 : i32
    %dma_start3A_74 = tpu.memref_slice %arg8[%dma_start3A_73] : memref<10000xf32, #tpu.memory_space<vmem>> -> memref<1200xf32, #tpu.memory_space<vmem>>
    %dma_start3A_75 = arith.constant 8800 : i32
    %dma_start3A_76 = tpu.memref_slice %arg6[%dma_start3A_75] : memref<10000xi32, #tpu.memory_space<vmem>> -> memref<1200xi32, #tpu.memory_space<vmem>>
    %dma_start3A_77 = arith.constant 0 : i32
    %dma_start3A_78 = tpu.memref_slice %arg2[%dma_start3A_77] : memref<1280000xf32, #tpu.memory_space<hbm>> -> memref<1280000xf32, #tpu.memory_space<hbm>>
    tpu.enqueue_indirect_dma source(%dma_start3A_78 : memref<1280000xf32, #tpu.memory_space<hbm>>) target(%dma_start3A_74 : memref<1200xf32, #tpu.memory_space<vmem>>) offsets(%dma_start3A_76 : memref<1200xi32, #tpu.memory_space<vmem>>) semaphore(%arg17 : memref<!tpu.dma_semaphore, #tpu.memory_space<semaphore_mem>>)
    %scan3A = arith.constant 0 : i32
    %scan3A_79 = arith.constant 1 : i32
    %scan3A_80 = arith.constant 19 : i32
    %scan3A_81 = arith.addi %scan3A_79, %scan3A_80 : i32
    %scan3A_82 = arith.constant 1 : i32
    scf.for %scan3A_110 = %scan3A_79 to %scan3A_81 step %scan3A_82  : i32 {
      %mul3A_111 = arith.constant 2 : i32
      %mul3A_112 = arith.muli %mul3A_111, %scan3A_110 : i32
      %add3A_113 = arith.constant 1 : i32
      %add3A_114 = arith.addi %mul3A_112, %add3A_113 : i32
      %dma_wait3A_115 = arith.constant 0 : i32
      %dma_wait3A_116 = tpu.memref_slice %arg8[%dma_wait3A_115] : memref<10000xf32, #tpu.memory_space<vmem>> -> memref<4400xf32, #tpu.memory_space<vmem>>
      %dma_wait3A_117 = arith.constant 0 : i32
      %dma_wait3A_118 = tpu.memref_slice %arg6[%dma_wait3A_117] : memref<10000xi32, #tpu.memory_space<vmem>> -> memref<4400xi32, #tpu.memory_space<vmem>>
      %dma_wait3A_119 = arith.constant 0 : i32
      %dma_wait3A_120 = tpu.memref_slice %arg9[%dma_wait3A_119] : memref<1280000xf32, #tpu.memory_space<vmem_shared>> -> memref<1280000xf32, #tpu.memory_space<vmem_shared>>
      tpu.wait_indirect_dma semaphore(%arg13 : memref<!tpu.dma_semaphore, #tpu.memory_space<semaphore_mem>>) src(%dma_wait3A_120 : memref<1280000xf32, #tpu.memory_space<vmem_shared>>) dst(%dma_wait3A_116 : memref<4400xf32, #tpu.memory_space<vmem>>)
      %dma_wait3A_121 = arith.constant 4400 : i32
      %dma_wait3A_122 = tpu.memref_slice %arg8[%dma_wait3A_121] : memref<10000xf32, #tpu.memory_space<vmem>> -> memref<4400xf32, #tpu.memory_space<vmem>>
      %dma_wait3A_123 = arith.constant 4400 : i32
      %dma_wait3A_124 = tpu.memref_slice %arg6[%dma_wait3A_123] : memref<10000xi32, #tpu.memory_space<vmem>> -> memref<4400xi32, #tpu.memory_space<vmem>>
      %dma_wait3A_125 = arith.constant 0 : i32
      %dma_wait3A_126 = tpu.memref_slice %arg9[%dma_wait3A_125] : memref<1280000xf32, #tpu.memory_space<vmem_shared>> -> memref<1280000xf32, #tpu.memory_space<vmem_shared>>
      tpu.wait_indirect_dma semaphore(%arg15 : memref<!tpu.dma_semaphore, #tpu.memory_space<semaphore_mem>>) src(%dma_wait3A_126 : memref<1280000xf32, #tpu.memory_space<vmem_shared>>) dst(%dma_wait3A_122 : memref<4400xf32, #tpu.memory_space<vmem>>)
      %dma_wait3A_127 = arith.constant 8800 : i32
      %dma_wait3A_128 = tpu.memref_slice %arg8[%dma_wait3A_127] : memref<10000xf32, #tpu.memory_space<vmem>> -> memref<1200xf32, #tpu.memory_space<vmem>>
      %dma_wait3A_129 = arith.constant 8800 : i32
      %dma_wait3A_130 = tpu.memref_slice %arg6[%dma_wait3A_129] : memref<10000xi32, #tpu.memory_space<vmem>> -> memref<1200xi32, #tpu.memory_space<vmem>>
      %dma_wait3A_131 = arith.constant 0 : i32
      %dma_wait3A_132 = tpu.memref_slice %arg2[%dma_wait3A_131] : memref<1280000xf32, #tpu.memory_space<hbm>> -> memref<1280000xf32, #tpu.memory_space<hbm>>
      tpu.wait_indirect_dma semaphore(%arg17 : memref<!tpu.dma_semaphore, #tpu.memory_space<semaphore_mem>>) src(%dma_wait3A_132 : memref<1280000xf32, #tpu.memory_space<hbm>>) dst(%dma_wait3A_128 : memref<1200xf32, #tpu.memory_space<vmem>>)
      %sub3A = arith.constant 2 : i32
      %sub3A_133 = arith.subi %add3A_114, %sub3A : i32
      %mul3A_134 = arith.constant 10000 : i32
      %mul3A_135 = arith.muli %sub3A_133, %mul3A_134 : i32
      %add3A_136 = arith.addi %mul3A_2, %mul3A_135 : i32
      %dma_start3A_137 = tpu.memref_slice %arg4[%add3A_136] : memref<12800000xf32, #tpu.memory_space<hbm>> -> memref<10000xf32, #tpu.memory_space<hbm>>
      %dma_start3A_138 = tpu.memref_slice %arg4[%add3A_136] : memref<12800000xf32, #tpu.memory_space<hbm>> -> memref<10000xf32, #tpu.memory_space<hbm>>
      tpu.enqueue_dma source(%arg8 : memref<10000xf32, #tpu.memory_space<vmem>>) target(%dma_start3A_138 : memref<10000xf32, #tpu.memory_space<hbm>>) target_semaphore(%arg19 : memref<!tpu.dma_semaphore, #tpu.memory_space<semaphore_mem>>)
      %mul3A_139 = arith.constant 10000 : i32
      %mul3A_140 = arith.muli %add3A_114, %mul3A_139 : i32
      %add3A_141 = arith.addi %mul3A_2, %mul3A_140 : i32
      %dma_start3A_142 = tpu.memref_slice %arg3[%add3A_141] : memref<12800000xi32, #tpu.memory_space<hbm>> -> memref<10000xi32, #tpu.memory_space<hbm>>
      %dma_start3A_143 = tpu.memref_slice %arg3[%add3A_141] : memref<12800000xi32, #tpu.memory_space<hbm>> -> memref<10000xi32, #tpu.memory_space<hbm>>
      tpu.enqueue_dma source(%dma_start3A_143 : memref<10000xi32, #tpu.memory_space<hbm>>) target(%arg6 : memref<10000xi32, #tpu.memory_space<vmem>>) target_semaphore(%arg11 : memref<!tpu.dma_semaphore, #tpu.memory_space<semaphore_mem>>)
      %dma_wait3A_144 = tpu.memref_slice %arg3[%mul3A_2] : memref<12800000xi32, #tpu.memory_space<hbm>> -> memref<10000xi32, #tpu.memory_space<hbm>>
      %dma_wait3A_145 = tpu.memref_slice %arg3[%mul3A_2] : memref<12800000xi32, #tpu.memory_space<hbm>> -> memref<10000xi32, #tpu.memory_space<hbm>>
      tpu.wait_dma2 semaphore(%arg10 : memref<!tpu.dma_semaphore, #tpu.memory_space<semaphore_mem>>) src(%dma_wait3A_145 : memref<10000xi32, #tpu.memory_space<hbm>>) dst(%arg5 : memref<10000xi32, #tpu.memory_space<vmem>>)
      %dma_wait3A_146 = tpu.memref_slice %arg4[%mul3A_2] : memref<12800000xf32, #tpu.memory_space<hbm>> -> memref<10000xf32, #tpu.memory_space<hbm>>
      %dma_wait3A_147 = tpu.memref_slice %arg4[%mul3A_2] : memref<12800000xf32, #tpu.memory_space<hbm>> -> memref<10000xf32, #tpu.memory_space<hbm>>
      tpu.wait_dma2 semaphore(%arg18 : memref<!tpu.dma_semaphore, #tpu.memory_space<semaphore_mem>>) src(%arg7 : memref<10000xf32, #tpu.memory_space<vmem>>) dst(%dma_wait3A_147 : memref<10000xf32, #tpu.memory_space<hbm>>)
      %dma_start3A_148 = arith.constant 0 : i32
      %dma_start3A_149 = tpu.memref_slice %arg7[%dma_start3A_148] : memref<10000xf32, #tpu.memory_space<vmem>> -> memref<4400xf32, #tpu.memory_space<vmem>>
      %dma_start3A_150 = arith.constant 0 : i32
      %dma_start3A_151 = tpu.memref_slice %arg5[%dma_start3A_150] : memref<10000xi32, #tpu.memory_space<vmem>> -> memref<4400xi32, #tpu.memory_space<vmem>>
      %dma_start3A_152 = arith.constant 0 : i32
      %dma_start3A_153 = tpu.memref_slice %arg9[%dma_start3A_152] : memref<1280000xf32, #tpu.memory_space<vmem_shared>> -> memref<1280000xf32, #tpu.memory_space<vmem_shared>>
      tpu.enqueue_indirect_dma source(%dma_start3A_153 : memref<1280000xf32, #tpu.memory_space<vmem_shared>>) target(%dma_start3A_149 : memref<4400xf32, #tpu.memory_space<vmem>>) offsets(%dma_start3A_151 : memref<4400xi32, #tpu.memory_space<vmem>>) semaphore(%arg12 : memref<!tpu.dma_semaphore, #tpu.memory_space<semaphore_mem>>)
      %dma_start3A_154 = arith.constant 4400 : i32
      %dma_start3A_155 = tpu.memref_slice %arg7[%dma_start3A_154] : memref<10000xf32, #tpu.memory_space<vmem>> -> memref<4400xf32, #tpu.memory_space<vmem>>
      %dma_start3A_156 = arith.constant 4400 : i32
      %dma_start3A_157 = tpu.memref_slice %arg5[%dma_start3A_156] : memref<10000xi32, #tpu.memory_space<vmem>> -> memref<4400xi32, #tpu.memory_space<vmem>>
      %dma_start3A_158 = arith.constant 0 : i32
      %dma_start3A_159 = tpu.memref_slice %arg9[%dma_start3A_158] : memref<1280000xf32, #tpu.memory_space<vmem_shared>> -> memref<1280000xf32, #tpu.memory_space<vmem_shared>>
      tpu.enqueue_indirect_dma source(%dma_start3A_159 : memref<1280000xf32, #tpu.memory_space<vmem_shared>>) target(%dma_start3A_155 : memref<4400xf32, #tpu.memory_space<vmem>>) offsets(%dma_start3A_157 : memref<4400xi32, #tpu.memory_space<vmem>>) semaphore(%arg14 : memref<!tpu.dma_semaphore, #tpu.memory_space<semaphore_mem>>)
      %dma_start3A_160 = arith.constant 8800 : i32
      %dma_start3A_161 = tpu.memref_slice %arg7[%dma_start3A_160] : memref<10000xf32, #tpu.memory_space<vmem>> -> memref<1200xf32, #tpu.memory_space<vmem>>
      %dma_start3A_162 = arith.constant 8800 : i32
      %dma_start3A_163 = tpu.memref_slice %arg5[%dma_start3A_162] : memref<10000xi32, #tpu.memory_space<vmem>> -> memref<1200xi32, #tpu.memory_space<vmem>>
      %dma_start3A_164 = arith.constant 0 : i32
      %dma_start3A_165 = tpu.memref_slice %arg2[%dma_start3A_164] : memref<1280000xf32, #tpu.memory_space<hbm>> -> memref<1280000xf32, #tpu.memory_space<hbm>>
      tpu.enqueue_indirect_dma source(%dma_start3A_165 : memref<1280000xf32, #tpu.memory_space<hbm>>) target(%dma_start3A_161 : memref<1200xf32, #tpu.memory_space<vmem>>) offsets(%dma_start3A_163 : memref<1200xi32, #tpu.memory_space<vmem>>) semaphore(%arg16 : memref<!tpu.dma_semaphore, #tpu.memory_space<semaphore_mem>>)
      %dma_wait3A_166 = arith.constant 0 : i32
      %dma_wait3A_167 = tpu.memref_slice %arg7[%dma_wait3A_166] : memref<10000xf32, #tpu.memory_space<vmem>> -> memref<4400xf32, #tpu.memory_space<vmem>>
      %dma_wait3A_168 = arith.constant 0 : i32
      %dma_wait3A_169 = tpu.memref_slice %arg5[%dma_wait3A_168] : memref<10000xi32, #tpu.memory_space<vmem>> -> memref<4400xi32, #tpu.memory_space<vmem>>
      %dma_wait3A_170 = arith.constant 0 : i32
      %dma_wait3A_171 = tpu.memref_slice %arg9[%dma_wait3A_170] : memref<1280000xf32, #tpu.memory_space<vmem_shared>> -> memref<1280000xf32, #tpu.memory_space<vmem_shared>>
      tpu.wait_indirect_dma semaphore(%arg12 : memref<!tpu.dma_semaphore, #tpu.memory_space<semaphore_mem>>) src(%dma_wait3A_171 : memref<1280000xf32, #tpu.memory_space<vmem_shared>>) dst(%dma_wait3A_167 : memref<4400xf32, #tpu.memory_space<vmem>>)
      %dma_wait3A_172 = arith.constant 4400 : i32
      %dma_wait3A_173 = tpu.memref_slice %arg7[%dma_wait3A_172] : memref<10000xf32, #tpu.memory_space<vmem>> -> memref<4400xf32, #tpu.memory_space<vmem>>
      %dma_wait3A_174 = arith.constant 4400 : i32
      %dma_wait3A_175 = tpu.memref_slice %arg5[%dma_wait3A_174] : memref<10000xi32, #tpu.memory_space<vmem>> -> memref<4400xi32, #tpu.memory_space<vmem>>
      %dma_wait3A_176 = arith.constant 0 : i32
      %dma_wait3A_177 = tpu.memref_slice %arg9[%dma_wait3A_176] : memref<1280000xf32, #tpu.memory_space<vmem_shared>> -> memref<1280000xf32, #tpu.memory_space<vmem_shared>>
      tpu.wait_indirect_dma semaphore(%arg14 : memref<!tpu.dma_semaphore, #tpu.memory_space<semaphore_mem>>) src(%dma_wait3A_177 : memref<1280000xf32, #tpu.memory_space<vmem_shared>>) dst(%dma_wait3A_173 : memref<4400xf32, #tpu.memory_space<vmem>>)
      %dma_wait3A_178 = arith.constant 8800 : i32
      %dma_wait3A_179 = tpu.memref_slice %arg7[%dma_wait3A_178] : memref<10000xf32, #tpu.memory_space<vmem>> -> memref<1200xf32, #tpu.memory_space<vmem>>
      %dma_wait3A_180 = arith.constant 8800 : i32
      %dma_wait3A_181 = tpu.memref_slice %arg5[%dma_wait3A_180] : memref<10000xi32, #tpu.memory_space<vmem>> -> memref<1200xi32, #tpu.memory_space<vmem>>
      %dma_wait3A_182 = arith.constant 0 : i32
      %dma_wait3A_183 = tpu.memref_slice %arg2[%dma_wait3A_182] : memref<1280000xf32, #tpu.memory_space<hbm>> -> memref<1280000xf32, #tpu.memory_space<hbm>>
      tpu.wait_indirect_dma semaphore(%arg16 : memref<!tpu.dma_semaphore, #tpu.memory_space<semaphore_mem>>) src(%dma_wait3A_183 : memref<1280000xf32, #tpu.memory_space<hbm>>) dst(%dma_wait3A_179 : memref<1200xf32, #tpu.memory_space<vmem>>)
      %mul3A_184 = arith.constant 10000 : i32
      %mul3A_185 = arith.muli %mul3A_112, %mul3A_184 : i32
      %add3A_186 = arith.addi %mul3A_2, %mul3A_185 : i32
      %dma_start3A_187 = tpu.memref_slice %arg4[%add3A_186] : memref<12800000xf32, #tpu.memory_space<hbm>> -> memref<10000xf32, #tpu.memory_space<hbm>>
      %dma_start3A_188 = tpu.memref_slice %arg4[%add3A_186] : memref<12800000xf32, #tpu.memory_space<hbm>> -> memref<10000xf32, #tpu.memory_space<hbm>>
      tpu.enqueue_dma source(%arg7 : memref<10000xf32, #tpu.memory_space<vmem>>) target(%dma_start3A_188 : memref<10000xf32, #tpu.memory_space<hbm>>) target_semaphore(%arg18 : memref<!tpu.dma_semaphore, #tpu.memory_space<semaphore_mem>>)
      %add3A_189 = arith.constant 1 : i32
      %add3A_190 = arith.addi %add3A_114, %add3A_189 : i32
      %lt3A = arith.constant 40 : i32
      %lt3A_191 = arith.cmpi slt, %add3A_190, %lt3A : i32
      %convert_element_type3A = arith.extui %lt3A_191 : i1 to i32
      %cond3A = arith.constant 0 : i32
      %cond3A_192 = arith.cmpi ne, %convert_element_type3A, %cond3A : i32
      scf.if %cond3A_192 {
        %add3A_215 = arith.constant 1 : i32
        %add3A_216 = arith.addi %add3A_114, %add3A_215 : i32
        %mul3A_217 = arith.constant 10000 : i32
        %mul3A_218 = arith.muli %add3A_216, %mul3A_217 : i32
        %add3A_219 = arith.addi %mul3A_2, %mul3A_218 : i32
        %dma_start3A_220 = tpu.memref_slice %arg3[%add3A_219] : memref<12800000xi32, #tpu.memory_space<hbm>> -> memref<10000xi32, #tpu.memory_space<hbm>>
        %dma_start3A_221 = tpu.memref_slice %arg3[%add3A_219] : memref<12800000xi32, #tpu.memory_space<hbm>> -> memref<10000xi32, #tpu.memory_space<hbm>>
        tpu.enqueue_dma source(%dma_start3A_221 : memref<10000xi32, #tpu.memory_space<hbm>>) target(%arg5 : memref<10000xi32, #tpu.memory_space<vmem>>) target_semaphore(%arg10 : memref<!tpu.dma_semaphore, #tpu.memory_space<semaphore_mem>>)
      } else {
      }
      %dma_wait3A_193 = tpu.memref_slice %arg3[%mul3A_2] : memref<12800000xi32, #tpu.memory_space<hbm>> -> memref<10000xi32, #tpu.memory_space<hbm>>
      %dma_wait3A_194 = tpu.memref_slice %arg3[%mul3A_2] : memref<12800000xi32, #tpu.memory_space<hbm>> -> memref<10000xi32, #tpu.memory_space<hbm>>
      tpu.wait_dma2 semaphore(%arg11 : memref<!tpu.dma_semaphore, #tpu.memory_space<semaphore_mem>>) src(%dma_wait3A_194 : memref<10000xi32, #tpu.memory_space<hbm>>) dst(%arg6 : memref<10000xi32, #tpu.memory_space<vmem>>)
      %dma_wait3A_195 = tpu.memref_slice %arg4[%mul3A_2] : memref<12800000xf32, #tpu.memory_space<hbm>> -> memref<10000xf32, #tpu.memory_space<hbm>>
      %dma_wait3A_196 = tpu.memref_slice %arg4[%mul3A_2] : memref<12800000xf32, #tpu.memory_space<hbm>> -> memref<10000xf32, #tpu.memory_space<hbm>>
      tpu.wait_dma2 semaphore(%arg19 : memref<!tpu.dma_semaphore, #tpu.memory_space<semaphore_mem>>) src(%arg8 : memref<10000xf32, #tpu.memory_space<vmem>>) dst(%dma_wait3A_196 : memref<10000xf32, #tpu.memory_space<hbm>>)
      %dma_start3A_197 = arith.constant 0 : i32
      %dma_start3A_198 = tpu.memref_slice %arg8[%dma_start3A_197] : memref<10000xf32, #tpu.memory_space<vmem>> -> memref<4400xf32, #tpu.memory_space<vmem>>
      %dma_start3A_199 = arith.constant 0 : i32
      %dma_start3A_200 = tpu.memref_slice %arg6[%dma_start3A_199] : memref<10000xi32, #tpu.memory_space<vmem>> -> memref<4400xi32, #tpu.memory_space<vmem>>
      %dma_start3A_201 = arith.constant 0 : i32
      %dma_start3A_202 = tpu.memref_slice %arg9[%dma_start3A_201] : memref<1280000xf32, #tpu.memory_space<vmem_shared>> -> memref<1280000xf32, #tpu.memory_space<vmem_shared>>
      tpu.enqueue_indirect_dma source(%dma_start3A_202 : memref<1280000xf32, #tpu.memory_space<vmem_shared>>) target(%dma_start3A_198 : memref<4400xf32, #tpu.memory_space<vmem>>) offsets(%dma_start3A_200 : memref<4400xi32, #tpu.memory_space<vmem>>) semaphore(%arg13 : memref<!tpu.dma_semaphore, #tpu.memory_space<semaphore_mem>>)
      %dma_start3A_203 = arith.constant 4400 : i32
      %dma_start3A_204 = tpu.memref_slice %arg8[%dma_start3A_203] : memref<10000xf32, #tpu.memory_space<vmem>> -> memref<4400xf32, #tpu.memory_space<vmem>>
      %dma_start3A_205 = arith.constant 4400 : i32
      %dma_start3A_206 = tpu.memref_slice %arg6[%dma_start3A_205] : memref<10000xi32, #tpu.memory_space<vmem>> -> memref<4400xi32, #tpu.memory_space<vmem>>
      %dma_start3A_207 = arith.constant 0 : i32
      %dma_start3A_208 = tpu.memref_slice %arg9[%dma_start3A_207] : memref<1280000xf32, #tpu.memory_space<vmem_shared>> -> memref<1280000xf32, #tpu.memory_space<vmem_shared>>
      tpu.enqueue_indirect_dma source(%dma_start3A_208 : memref<1280000xf32, #tpu.memory_space<vmem_shared>>) target(%dma_start3A_204 : memref<4400xf32, #tpu.memory_space<vmem>>) offsets(%dma_start3A_206 : memref<4400xi32, #tpu.memory_space<vmem>>) semaphore(%arg15 : memref<!tpu.dma_semaphore, #tpu.memory_space<semaphore_mem>>)
      %dma_start3A_209 = arith.constant 8800 : i32
      %dma_start3A_210 = tpu.memref_slice %arg8[%dma_start3A_209] : memref<10000xf32, #tpu.memory_space<vmem>> -> memref<1200xf32, #tpu.memory_space<vmem>>
      %dma_start3A_211 = arith.constant 8800 : i32
      %dma_start3A_212 = tpu.memref_slice %arg6[%dma_start3A_211] : memref<10000xi32, #tpu.memory_space<vmem>> -> memref<1200xi32, #tpu.memory_space<vmem>>
      %dma_start3A_213 = arith.constant 0 : i32
      %dma_start3A_214 = tpu.memref_slice %arg2[%dma_start3A_213] : memref<1280000xf32, #tpu.memory_space<hbm>> -> memref<1280000xf32, #tpu.memory_space<hbm>>
      tpu.enqueue_indirect_dma source(%dma_start3A_214 : memref<1280000xf32, #tpu.memory_space<hbm>>) target(%dma_start3A_210 : memref<1200xf32, #tpu.memory_space<vmem>>) offsets(%dma_start3A_212 : memref<1200xi32, #tpu.memory_space<vmem>>) semaphore(%arg17 : memref<!tpu.dma_semaphore, #tpu.memory_space<semaphore_mem>>)
    }
    %scan3A_83 = arith.constant 19 : i32
    %dma_wait3A_84 = arith.constant 0 : i32
    %dma_wait3A_85 = tpu.memref_slice %arg8[%dma_wait3A_84] : memref<10000xf32, #tpu.memory_space<vmem>> -> memref<4400xf32, #tpu.memory_space<vmem>>
    %dma_wait3A_86 = arith.constant 0 : i32
    %dma_wait3A_87 = tpu.memref_slice %arg6[%dma_wait3A_86] : memref<10000xi32, #tpu.memory_space<vmem>> -> memref<4400xi32, #tpu.memory_space<vmem>>
    %dma_wait3A_88 = arith.constant 0 : i32
    %dma_wait3A_89 = tpu.memref_slice %arg9[%dma_wait3A_88] : memref<1280000xf32, #tpu.memory_space<vmem_shared>> -> memref<1280000xf32, #tpu.memory_space<vmem_shared>>
    tpu.wait_indirect_dma semaphore(%arg13 : memref<!tpu.dma_semaphore, #tpu.memory_space<semaphore_mem>>) src(%dma_wait3A_89 : memref<1280000xf32, #tpu.memory_space<vmem_shared>>) dst(%dma_wait3A_85 : memref<4400xf32, #tpu.memory_space<vmem>>)
    %dma_wait3A_90 = arith.constant 4400 : i32
    %dma_wait3A_91 = tpu.memref_slice %arg8[%dma_wait3A_90] : memref<10000xf32, #tpu.memory_space<vmem>> -> memref<4400xf32, #tpu.memory_space<vmem>>
    %dma_wait3A_92 = arith.constant 4400 : i32
    %dma_wait3A_93 = tpu.memref_slice %arg6[%dma_wait3A_92] : memref<10000xi32, #tpu.memory_space<vmem>> -> memref<4400xi32, #tpu.memory_space<vmem>>
    %dma_wait3A_94 = arith.constant 0 : i32
    %dma_wait3A_95 = tpu.memref_slice %arg9[%dma_wait3A_94] : memref<1280000xf32, #tpu.memory_space<vmem_shared>> -> memref<1280000xf32, #tpu.memory_space<vmem_shared>>
    tpu.wait_indirect_dma semaphore(%arg15 : memref<!tpu.dma_semaphore, #tpu.memory_space<semaphore_mem>>) src(%dma_wait3A_95 : memref<1280000xf32, #tpu.memory_space<vmem_shared>>) dst(%dma_wait3A_91 : memref<4400xf32, #tpu.memory_space<vmem>>)
    %dma_wait3A_96 = arith.constant 8800 : i32
    %dma_wait3A_97 = tpu.memref_slice %arg8[%dma_wait3A_96] : memref<10000xf32, #tpu.memory_space<vmem>> -> memref<1200xf32, #tpu.memory_space<vmem>>
    %dma_wait3A_98 = arith.constant 8800 : i32
    %dma_wait3A_99 = tpu.memref_slice %arg6[%dma_wait3A_98] : memref<10000xi32, #tpu.memory_space<vmem>> -> memref<1200xi32, #tpu.memory_space<vmem>>
    %dma_wait3A_100 = arith.constant 0 : i32
    %dma_wait3A_101 = tpu.memref_slice %arg2[%dma_wait3A_100] : memref<1280000xf32, #tpu.memory_space<hbm>> -> memref<1280000xf32, #tpu.memory_space<hbm>>
    tpu.wait_indirect_dma semaphore(%arg17 : memref<!tpu.dma_semaphore, #tpu.memory_space<semaphore_mem>>) src(%dma_wait3A_101 : memref<1280000xf32, #tpu.memory_space<hbm>>) dst(%dma_wait3A_97 : memref<1200xf32, #tpu.memory_space<vmem>>)
    %add3A_102 = arith.constant 390000 : i32
    %add3A_103 = arith.addi %mul3A_2, %add3A_102 : i32
    %dma_start3A_104 = tpu.memref_slice %arg4[%add3A_103] : memref<12800000xf32, #tpu.memory_space<hbm>> -> memref<10000xf32, #tpu.memory_space<hbm>>
    %dma_start3A_105 = tpu.memref_slice %arg4[%add3A_103] : memref<12800000xf32, #tpu.memory_space<hbm>> -> memref<10000xf32, #tpu.memory_space<hbm>>
    tpu.enqueue_dma source(%arg8 : memref<10000xf32, #tpu.memory_space<vmem>>) target(%dma_start3A_105 : memref<10000xf32, #tpu.memory_space<hbm>>) target_semaphore(%arg19 : memref<!tpu.dma_semaphore, #tpu.memory_space<semaphore_mem>>)
    %dma_wait3A_106 = tpu.memref_slice %arg4[%mul3A_2] : memref<12800000xf32, #tpu.memory_space<hbm>> -> memref<10000xf32, #tpu.memory_space<hbm>>
    %dma_wait3A_107 = tpu.memref_slice %arg4[%mul3A_2] : memref<12800000xf32, #tpu.memory_space<hbm>> -> memref<10000xf32, #tpu.memory_space<hbm>>
    tpu.wait_dma2 semaphore(%arg18 : memref<!tpu.dma_semaphore, #tpu.memory_space<semaphore_mem>>) src(%arg7 : memref<10000xf32, #tpu.memory_space<vmem>>) dst(%dma_wait3A_107 : memref<10000xf32, #tpu.memory_space<hbm>>)
    %dma_wait3A_108 = tpu.memref_slice %arg4[%mul3A_2] : memref<12800000xf32, #tpu.memory_space<hbm>> -> memref<10000xf32, #tpu.memory_space<hbm>>
    %dma_wait3A_109 = tpu.memref_slice %arg4[%mul3A_2] : memref<12800000xf32, #tpu.memory_space<hbm>> -> memref<10000xf32, #tpu.memory_space<hbm>>
    tpu.wait_dma2 semaphore(%arg19 : memref<!tpu.dma_semaphore, #tpu.memory_space<semaphore_mem>>) src(%arg8 : memref<10000xf32, #tpu.memory_space<vmem>>) dst(%dma_wait3A_109 : memref<10000xf32, #tpu.memory_space<hbm>>)
    return
  }
}

</mosaic_0001>

<sc_bundles>
// kernel: kernel.3.cloned.1.call-start
scs
__scs_entry_jumppad:
0x0: {  	(pc) =	sbr.rel $0x88, $3  }
0x1: {  	(tag) =	ssettag $0x0;
	lr =	simm.s32 $0x1  }
0x2: {  	[smem:$0x3F9F] =	sst lr;
	_ =	strace $0xD0000000  }
0x3: {  	_ = 	snop  }
0x4: {  	_ = 	snop  }
0x5: {  	_ = 	snop  }
0x6: {  	_ = 	snop  }
0x7: {  	_ = 	snop  }
__scs_overlays_trampoline_lowered:
0x8: {  	[smem:$0x3FAE] =	sst s0  }
0x9: {  	[smem:$0x3FAF] =	sst s1  }
0xa: {  	[smem:$0x3FB0] =	sst s2  }
0xb: {  	[smem:$0x3FB1] =	sst s3  }
0xc: {  	[smem:$0x3FB2] =	sst s4  }
0xd: {  	[smem:$0x3FB3] =	sst s5  }
0xe: {  	[smem:$0x3FB4] =	sst s6  }
0xf: {  	[smem:$0x3FB5] =	sst s7  }
0x10: {  	[smem:$0x3FB6] =	sst s8  }
0x11: {  	[smem:$0x3FB7] =	sst s9;
	s0 =	simm.s32 @!p0 $0x0  }
0x12: {  	s1 =	sld [smem:$0x3F9D];
	s0 =	simm.s32 @p0 $0x1  }
0x13: {  	[smem:$0x3FB8] =	sst s0;
	s0 =	simm.s32 @!p1 $0x0  }
0x14: {  	s2 =	sld [smem:$0x3F9C];
	s0 =	simm.s32 @p1 $0x1  }
0x15: {  	[smem:$0x3FB9] =	sst s0;
	s0 =	simm.s32 @!p2 $0x0  }
0x16: {  	s3 =	sld [smem:$0x3FDB];
	s0 =	simm.s32 @p2 $0x1  }
0x17: {  	s4 =	simm.s32 $0x1BF5;
	[smem:$0x3FBB] =	sst s0  }
0x18: {  	s0 =	sld [smem:$0x3F9E];
	_ =	swait.ge [sflag:s4], $0x0  }
0x19: {  	s7 =	sld [smem:$0x3F9F]  }
0x1a: {  	s8 =	sadd.s32 $0xFFFFE003, lr  }
0x1b: {  	s9 =	sadd.s32 $0xFFFFFEF7, lr;
	s5 =	simm.s32 $0xFFFFFFFF;
	p2 =	slt.u32 s8, $0xFFFFF086  }
0x1c: {  	p1 =	slt.u32 s9, $0xF7A;
	s5 =	simm.s32 @!p2 $0x0  }
0x1d: {  	s5 =	simm.s32 @p1 $0x1;
	p0 =	seq.s32 s7, s2  }
0x1e: {  	s7 =	smul.u32 @!p0 $0xF7A, s2;
	p2 =	seq.s32 @!p0 s5, $0x0  }
0x1f: {  	s9 =	smul.u32 $0xF7A, s1;
	s8 =	simm.s32 @!p0 $0x1BF5;
	p2 =	por !p2, p0  }
0x20: {  	[sflag:s8] =	ssyncset.s32 @!p0 $0xFFFFF086;
	s6 =	sadd.s32 @!p0 s3, s7;
	s7 =	simm.s32 @!p0 $0x108  }
0x21: {  	s3 =	sadd.s32 s3, s9;
	s6 =	sadd.s32 @!p0 $0x88, s6;
	s7 =	simm.s32 @p2 $0x1082  }
0x22: {  	[simem:s7], [sflag:s8] =	dma.local @!p0 [hbm:s6], $0xF7A  }
0x23: {  	s9 =	sor.u32 $0xD0000000, s2;
	s6 =	simm.s32 $0x108;
	_ =	swait.ge @!p0 [sflag:s8], $0x0  }
0x24: {  	s3 =	sadd.s32 $0x88, s3;
	s6 =	simm.s32 @!p1 $0x1082;
	[sflag:s4] =	ssyncset.s32 $0xFFFFF086  }
0x25: {  	[simem:s6], [sflag:s4] =	dma.local [hbm:s3], $0xF7A  }
0x26: {  	[smem:$0x3F9F] =	sst s1;
	(tag) =	ssettag s2;
	_ =	strace s9  }
0x27: {  	s1 =	sld [smem:$0x3FAF]  }
0x28: {  	s2 =	sld [smem:$0x3FB0]  }
0x29: {  	s4 =	sld [smem:$0x3FB2]  }
0x2a: {  	p0 =	seq.s32 s5, $0x0;
	s5 =	sld [smem:$0x3FB3]  }
0x2b: {  	s6 =	sld [smem:$0x3FB4]  }
0x2c: {  	s7 =	sld [smem:$0x3FB5]  }
0x2d: {  	s3 =	simm.s32 $0x108;
	s8 =	sld [smem:$0x3FB6]  }
0x2e: {  	s3 =	simm.s32 @!p0 $0x1082;
	s9 =	sld [smem:$0x3FB7]  }
0x2f: {  	lr =	sadd.s32 s0, s3;
	s0 =	sld [smem:$0x3FAE]  }
0x30: {  	s3 =	sld [smem:$0x3FB1]  }
0x31: {  	[smem:$0x3FBA] =	sst s10  }
0x32: {  	s10 =	sld [smem:$0x3FB8];
	_ =	sdelay $0x3  }
0x33: {  	p0 =	seq.s32 s10, $0x1;
	s10 =	sld [smem:$0x3FBA];
	_ =	sdelay $0x3  }
0x34: {  	[smem:$0x3FBA] =	sst s10  }
0x35: {  	s10 =	sld [smem:$0x3FB9];
	_ =	sdelay $0x3  }
0x36: {  	p1 =	seq.s32 s10, $0x1;
	s10 =	sld [smem:$0x3FBA];
	_ =	sdelay $0x3  }
0x37: {  	[smem:$0x3FBA] =	sst s10  }
0x38: {  	s10 =	sld [smem:$0x3FBB]  }
0x39: {  	_ = 	snop;
	(pc) =	sbr.ind lr, $3  }
0x3a: {  	_ = 	snop  }
0x3b: {  	_ = 	snop  }
0x3c: {  	p2 =	seq.s32 s10, $0x1;
	s10 =	sld [smem:$0x3FBA]  }
0x3d: {  	_ =	shalt  }
0x3e: {  	_ =	shalt  }
0x3f: {  	_ =	shalt  }
0x40: {  	_ =	shalt  }
0x41: {  	_ =	shalt  }
0x42: {  	_ =	shalt  }
0x43: {  	_ =	shalt  }
0x44: {  	_ =	shalt  }
0x45: {  	_ =	shalt  }
0x46: {  	_ =	shalt  }
0x47: {  	_ =	shalt  }
0x48: {  	_ =	shalt  }
0x49: {  	_ =	shalt  }
0x4a: {  	_ =	shalt  }
0x4b: {  	_ =	shalt  }
0x4c: {  	_ =	shalt  }
0x4d: {  	_ =	shalt  }
0x4e: {  	_ =	shalt  }
0x4f: {  	_ =	shalt  }
0x50: {  	_ =	shalt  }
0x51: {  	_ =	shalt  }
0x52: {  	_ =	shalt  }
0x53: {  	_ =	shalt  }
0x54: {  	_ =	shalt  }
0x55: {  	_ =	shalt  }
0x56: {  	_ =	shalt  }
0x57: {  	_ =	shalt  }
0x58: {  	_ =	shalt  }
0x59: {  	_ =	shalt  }
0x5a: {  	_ =	shalt  }
0x5b: {  	_ =	shalt  }
0x5c: {  	_ =	shalt  }
0x5d: {  	_ =	shalt  }
0x5e: {  	_ =	shalt  }
0x5f: {  	_ =	shalt  }
0x60: {  	_ =	shalt  }
0x61: {  	_ =	shalt  }
0x62: {  	_ =	shalt  }
0x63: {  	_ =	shalt  }
0x64: {  	_ =	shalt  }
0x65: {  	_ =	shalt  }
0x66: {  	_ =	shalt  }
0x67: {  	_ =	shalt  }
0x68: {  	_ =	shalt  }
0x69: {  	_ =	shalt  }
0x6a: {  	_ =	shalt  }
0x6b: {  	_ =	shalt  }
0x6c: {  	_ =	shalt  }
0x6d: {  	_ =	shalt  }
0x6e: {  	_ =	shalt  }
0x6f: {  	_ =	shalt  }
0x70: {  	_ =	shalt  }
0x71: {  	_ =	shalt  }
0x72: {  	_ =	shalt  }
0x73: {  	_ =	shalt  }
0x74: {  	_ =	shalt  }
0x75: {  	_ =	shalt  }
0x76: {  	_ =	shalt  }
0x77: {  	_ =	shalt  }
0x78: {  	_ =	shalt  }
0x79: {  	_ =	shalt  }
0x7a: {  	_ =	shalt  }
0x7b: {  	_ =	shalt  }
0x7c: {  	_ =	shalt  }
0x7d: {  	_ =	shalt  }
0x7e: {  	_ =	shalt  }
0x7f: {  	_ =	shalt  }
0x80: {  	_ =	shalt  }
0x81: {  	_ =	shalt  }
0x82: {  	_ =	shalt  }
0x83: {  	_ =	shalt  }
0x84: {  	_ =	shalt  }
0x85: {  	_ =	shalt  }
0x86: {  	_ =	shalt  }
0x87: {  	_ =	shalt  }
.Lfunc_end0:
.L_simem_size_0:
called_computation_lowered:
.L_overlay_start_0:
0x88: {  	s2 =	sld [smem:$0x3FD9]  }
0x89: {  	s3 =	sld [smem:$0x3FFE];
	_ =	sdelay $0x1  }
0x8a: {  	s1 =	srdreg.scid  }
0x8b: {  	s0 =	sand.u32 $0x1, s1  }
0x8c: {  	s18 =	sshll.u32 s0, $0xA;
	s2 =	sadd.s32 s3, s2  }
0x8d: {  	s2 =	sadd.s32 s2, s18  }
0x8e: {  	[smem:$0x3FC6] =	sst s2  }
0x8f: {  	_ = 	snop  }
0x90: {  	s2 =	sld [smem:$0x3FC9]  }
0x91: {  	s19 =	sld [smem:$0x3FC8]  }
0x92: {  	s4 =	sld [smem:$0x3FD0];
	(tm) =	ssettm $0x1  }
0x93: {  	s5 =	sld [smem:$0x3FFB];
	_ =	sdelay $0x3  }
0x94: {  	_ =	strace s5  }
0x95: {  	s5 =	sld [smem:$0x3FFC];
	_ =	sdelay $0x3  }
0x96: {  	_ =	strace s5  }
0x97: {  	s5 =	sld [smem:$0x3FFD];
	_ =	sdelay $0x3  }
0x98: {  	_ =	strace s5  }
0x99: {  	_ =	strace $0x8FFFFFFF  }
0x9a: {  	s20 =	sld [smem:$0x3FDB];
	_ =	sdelay $0x1  }
0x9b: {  	s6 =	simm.s32 $_scs_section_size  }
0x9c: {  	s7 =	simm.s32 $_size__tile_overlayer_lowered;
	s8 =	simm.s32 $_tile_overlayer_lowered  }
0x9d: {  	s23 =	simm.s32 $0x1BFF;
	s22 =	sshll.u32 s8, $0x1;
	s5 =	sadd.s32 s6, s20  }
0x9e: {  	s9 =	simm.s32 $0x0;
	s21 =	sshll.u32 s7, $0x1;
	s7 =	sadd.s32 s22, s5  }
0x9f: {  	[timem:s9], [sflag:s23] =	dma.local [hbm:s7], s21  }
0xa0: {  	_ =	swait.ge [sflag:s23], s21  }
0xa1: {  	s6 =	ssub.s32 $0x0, s21;
	[sflag:s23] =	ssyncset.done $0x0  }
0xa2: {  	[sflag:s23] =	ssyncadd.s32 s6;
	_ =	sdelay $0x1  }
0xa3: {  	s24 =	simm.s32 $0x1B8B  }
0xa4: {  	_ =	swait.ge [sflag:s24], $0x1  }
0xa5: {  	[sflag:s24] =	ssyncset.done $0x0  }
0xa6: {  	s25 =	simm.s32 $0x1B8E;
	[sflag:s24] =	ssyncadd.s32 $0xFFFFFFFF  }
0xa7: {  	s26 =	simm.s32 $execute0_lowered;
	[smem:$0x3FD2] =	sst s25  }
0xa8: {  	s6 =	sshll.u32 s26, $0x1;
	_ =	strace $0x80000046;
	[dreg:$0x1] =	wrdreg $0xFFFFFFFF  }
0xa9: {  	s28 =	simm.s32 $_size_execute0_lowered;
	s5 =	sadd.s32 s5, s6;
	[dreg:$0x0] =	wrdreg $0x0  }
0xaa: {  	s6 =	sshll.u32 s28, $0x1;
	[dreg:$0x2] =	wrdreg s5  }
0xab: {  	[dreg:$0x3] =	wrdreg s6  }
0xac: {  	[dreg:$0x4] =	wrdreg $0xC0  }
0xad: {  	_ =	task [dreg:s9], $0x5FFFF  }
0xae: {  	[dreg:$0x1] =	wrdreg $0xFFFFFFFF  }
0xaf: {  	[dreg:$0x0] =	wrdreg $0x60  }
0xb0: {  	[dreg:$0x2] =	wrdreg s2  }
0xb1: {  	[dreg:$0x3] =	wrdreg s19  }
0xb2: {  	[dreg:$0x4] =	wrdreg s4  }
0xb3: {  	[dreg:$0x5] =	wrdreg $0x9E000  }
0xb4: {  	[dreg:$0x6] =	wrdreg $0x9  }
0xb5: {  	_ =	task.clear_ibuf [dreg:s9], $0x7FFFF;
	_ =	strace $0x90000046  }
0xb6: {  	s29 =	simm.s32 $0x9;
	_ =	strace $0x80000048  }
0xb7: {  	_ =	swait.ge [sflag:s29], $0x1  }
0xb8: {  	[sflag:s29] =	ssyncadd.s32 $0xFFFFFFFF  }
0xb9: {  	_ =	strace $0x90000048  }
0xba: {  	_ =	sfence  }
0xbb: {  	s30 =	sld [smem:$0x0];
	_ =	sdelay $0x2  }
0xbc: {  	s31 =	sshll.u32 s1, $0xD;
	s1 =	sshrl.u32 s1, $0x2  }
0xbd: {  	s3 =	sand.u32 $0x4000, s31;
	s1 =	sadd.s32 s1, s30  }
0xbe: {  	s0 =	sor.u32 s3, s0;
	s1 =	sshll.u32 s1, $0x11  }
0xbf: {  	s0 =	sor.u32 s1, s0  }
0xc0: {  	s0 =	sadd.s32 $0x8F2B, s0  }
0xc1: {  	[sflag:s0] =	ssyncadd.remote.s32 $0x1  }
0xc2: {  	_ =	sfence.sel $0xFFFF  }
0xc3: {  	[dreg:$0x0] =	wrdreg $0xFFFFFFFF;
	(pc) =	sbr.abs _section_cstart, $3  }
0xc4: {  	[dreg:$0x1] =	wrdreg $0xFFFFFFFF  }
0xc5: {  	_ =	task.clear_ibuf [dreg:s9], $0x2FFFF;
	_ =	strace $0x9FFFFFFF  }
0xc6: {  	(tm) =	ssettm $0x7FFFFFFF  }
0xc7: {  	_ =	shalt  }
tec
execute0_lowered:
.L_overlay_start_1:
0x0: {  	(tag) =	ssettag $0x1  }
0x1: {  	s1 =	rddreg [dreg:$0x0]  }
0x2: {  	s0 =	srdreg.scid;
	s2 =	rddreg [dreg:$0x1]  }
0x3: {  	s11 =	stileid.u32;
	s3 =	rddreg [dreg:$0x2]  }
0x4: {  	s28 =	simm.s32 $0x6030;
	s29 =	simm.s32 $0x3;
	s30 =	simm.s32 $0x5  }
0x5: {  	s31 =	simm.s32 $0x7;
	s0 =	sand.u32 $0x1, s0;
	s4 =	sshll.u32 s11, $0x1  }
0x6: {  	s9 =	smul.u32 $0x13880, s11;
	s14 =	sshll.u32 s11, $0x6;
	s5 =	sor.u32 s0, s4  }
0x7: {  	s4 =	rddreg [dreg:$0x3];
	s7 =	ssub.s32 $0x2, s0;
	s6 =	smul.u32 $0x61A80, s5  }
0x8: {  	s5 =	simm.s32 $0x0;
	s13 =	sadd.s32 s9, s4;
	s9 =	sshrl.u32 s9, $0x3  }
0x9: {  	s8 =	sshrl.u32 s7, $0x1;
	[smem:$0x7FF] =	sst s5;
	s9 =	sadd.s32 s1, s9  }
0xa: {  	s26 =	sshrl.u32 s13, $0x3;
	_ =	strace $0x80000047;
	[dreg:$0xa] =	wrdreg s9  }
0xb: {  	s7 =	ssub.s32 s7, s8;
	s9 =	sor.u32 $0x1C0B, s14;
	[dreg:$0x14] =	wrdreg s26  }
0xc: {  	s6 =	sshrl.u32 s6, $0x3;
	s7 =	smax.u32 s7, $0x1;
	[dreg:$0xb] =	wrdreg s9  }
0xd: {  	s0 =	smul.u32 $0x61A80, s0;
	s12 =	sadd.s32 s2, s6;
	[dreg:$0xf] =	wrdreg s7  }
0xe: {  	s8 =	simm.s32 $0x87B0;
	s15 =	sadd.s32 s3, s6;
	[dreg:$0x8] =	wrdreg s12  }
0xf: {  	s13 =	simm.s32 $0x6;
	s10 =	sadd.s32 $0x4E2, s12;
	[dreg:$0xc] =	wrdreg s15  }
0x10: {  	s6 =	sadd.s32 $0xBE6E, s6;
	s16 =	sadd.s32 $0x9C4, s12;
	[dreg:$0x9] =	wrdreg s10  }
0x11: {  	s26 =	simm.s32 $0x4F00;
	s17 =	sadd.s32 s3, s6;
	[dreg:$0xd] =	wrdreg s16  }
0x12: {  	s14 =	simm.s32 $0x8;
	s18 =	sadd.s32 $0xB4AA, s15;
	[dreg:$0xe] =	wrdreg s17  }
0x13: {  	s9 =	simm.s32 $0x49E0;
	s6 =	sadd.s32 s2, s6;
	[dreg:$0x10] =	wrdreg s18  }
0x14: {  	s24 =	sadd.s32 $0xB98C, s15;
	s10 =	smul.u32 $0xC3500, s11;
	[dreg:$0x11] =	wrdreg s6  }
0x15: {  	s12 =	simm.s32 $0x4;
	s15 =	simm.s32 $0xA;
	[dreg:$0x12] =	wrdreg s24  }
0x16: {  	s18 =	simm.s32 $0x2780;
	s24 =	simm.s32 $0x7160;
	s0 =	sadd.s32 s0, s10  }
0x17: {  	s11 =	simm.s32 $0x98E0;
	s16 =	simm.s32 $0x0;
	s19 =	sadd.s32 $0x9C40, s0  }
0x18: {  	s21 =	sadd.s32 $0x7530, s0;
	s22 =	sadd.s32 $0x2710, s0;
	s0 =	sadd.s32 $0x4E20, s0  }
0x19: {  	s20 =	sshrl.u32 s19, $0x3;
	s7 =	sshrl.u32 s21, $0x3;
	s23 =	sshrl.u32 s22, $0x3  }
0x1a: {  	[dreg:$0x13] =	wrdreg s0;
	s21 =	simm.s32 $0x1;
	s6 =	sadd.s32 s20, s2  }
0x1b: {  	s22 =	simm.s32 $0x4B0;
	s2 =	sadd.s32 s7, s2;
	[dreg:$0x5] =	wrdreg s6  }
0x1c: {  	s0 =	simm.s32 $0x7680;
	s25 =	sadd.s32 s23, s3;
	[dreg:$0x6] =	wrdreg s2  }
0x1d: {  	s23 =	simm.s32 $0x2260;
	s7 =	simm.s32 $0x38B0;
	[dreg:$0x7] =	wrdreg s25  }
0x1e: {  	s25 =	simm.s32 $0x1130;
	s2 =	simm.s32 $0x2;
	s6 =	simm.s32 $0x9  }
.LBB2_1:
0x1f: {  	[dreg:$0x15] =	wrdreg s16  }
0x20: {  	s10 =	rddreg [dreg:$0x8]  }
0x21: {  	s17 =	rddreg [dreg:$0x9]  }
0x22: {  	s19 =	rddreg [dreg:$0xa]  }
0x23: {  	[tilespmem:s5], [sflag:$0x1] =	stream.linear.gather [hbm4b:s10+s5], $0x2710, $0x38;
	[tilespmem:$0x1D680] =	vst v63  }
0x24: {  	s20 =	rddreg [dreg:$0xb]  }
0x25: {  	[tilespmem:s18], [sflag:$0x2] =	stream.linear.gather [hbm4b:s17+s5], $0x2710, $0x38;
	[tilespmem:$0x1D680] =	vst v63  }
0x26: {  	s17 =	rddreg [dreg:$0x14]  }
0x27: {  	[spmem:s17], [sflag:s20] =	dma.local [hbm:s19], $0x2710  }
0x28: {  	s19 =	simm.s32 $0xB  }
0x29: {  	_ =	swait.ge [sflag:s19], $0x2710  }
0x2a: {  	[sflag:s19] =	ssyncset.done $0x0  }
0x2b: {  	[sflag:s19] =	ssyncadd.s32 $0xFFFFD8F0  }
0x2c: {  	_ =	swait.ge [sflag:s21], $0x2710  }
0x2d: {  	[sflag:s21] =	ssyncset.done $0x0  }
0x2e: {  	[sflag:s21] =	ssyncadd.s32 $0xFFFFD8F0  }
0x2f: {  	[tilespmem:s24], [sflag:$0x7] =	stream.indirect.gather [hbm4b:s1+s22], $0x1, s23, s22, $0xb8;
	[tilespmem:$0x1D680] =	vst v63  }
0x30: {  	[bflag:$0x0] =	sbarrier.arrive $0xFFFF  }
0x31: {  	[tilespmem:s26], [sflag:$0x3] =	stream.indirect.gather [spmem:s4], $0x1, s5, s25, $0xb8;
	[tilespmem:$0x1D680] =	vst v63  }
0x32: {  	_ = 	snop  }
0x33: {  	[tilespmem:s28], [sflag:$0x5] =	stream.indirect.gather [spmem:s4], $0x1, s25, s25, $0xb8;
	[tilespmem:$0x1D680] =	vst v63  }
0x34: {  	_ =	swait.ge [sflag:s29], $0x1130  }
0x35: {  	[sflag:s29] =	ssyncset.done $0x0  }
0x36: {  	[sflag:s29] =	ssyncadd.s32 $0xFFFFEED0  }
0x37: {  	_ =	swait.ge [sflag:s30], $0x1130  }
0x38: {  	[sflag:s30] =	ssyncset.done $0x0  }
0x39: {  	[sflag:s30] =	ssyncadd.s32 $0xFFFFEED0  }
0x3a: {  	_ =	swait.ge [sflag:s31], $0x4B0  }
0x3b: {  	[sflag:s31] =	ssyncset.done $0x0  }
0x3c: {  	s20 =	rddreg [dreg:$0xc];
	[sflag:s31] =	ssyncadd.s32 $0xFFFFFB50  }
0x3d: {  	[hbm4b:s20+s5] =	stream.linear.scatter [tilespmem:s26], [sflag:$0x9], $0x2710, $0x38;
	[tilespmem:$0x1D680] =	vst v63  }
0x3e: {  	s16 =	rddreg [dreg:$0xd]  }
0x3f: {  	[tilespmem:s5], [sflag:$0x1] =	stream.linear.gather [hbm4b:s16+s5], $0x2710, $0x38;
	[tilespmem:$0x1D680] =	vst v63  }
0x40: {  	_ =	swait.ge [sflag:s2], $0x2710  }
0x41: {  	[sflag:s2] =	ssyncset.done $0x0  }
0x42: {  	[sflag:s2] =	ssyncadd.s32 $0xFFFFD8F0  }
0x43: {  	[tilespmem:s0], [sflag:$0x4] =	stream.indirect.gather [spmem:s4], $0x1, s18, s25, $0xb8;
	[tilespmem:$0x1D680] =	vst v63  }
0x44: {  	_ = 	snop  }
0x45: {  	[tilespmem:s8], [sflag:$0x6] =	stream.indirect.gather [spmem:s4], $0x1, s7, s25, $0xb8;
	[tilespmem:$0x1D680] =	vst v63  }
0x46: {  	_ = 	snop  }
0x47: {  	[tilespmem:s11], [sflag:$0x8] =	stream.indirect.gather [hbm4b:s1+s22], $0x1, s9, s22, $0xb8;
	[tilespmem:$0x1D680] =	vst v63  }
0x48: {  	_ =	swait.ge [sflag:s12], $0x1130  }
0x49: {  	[sflag:s12] =	ssyncset.done $0x0  }
0x4a: {  	[sflag:s12] =	ssyncadd.s32 $0xFFFFEED0  }
0x4b: {  	_ =	swait.ge [sflag:s13], $0x1130  }
0x4c: {  	[sflag:s13] =	ssyncset.done $0x0  }
0x4d: {  	[sflag:s13] =	ssyncadd.s32 $0xFFFFEED0  }
0x4e: {  	_ =	swait.ge [sflag:s14], $0x4B0  }
0x4f: {  	s17 =	rddreg [dreg:$0x7];
	[sflag:s14] =	ssyncset.done $0x0  }
0x50: {  	s19 =	rddreg [dreg:$0x6];
	[sflag:s14] =	ssyncadd.s32 $0xFFFFFB50;
	s10 =	sadd.s32 $0x0, s17  }
0x51: {  	[hbm4b:s10+s5] =	stream.linear.scatter [tilespmem:s0], [sflag:$0xA], $0x2710, $0x38;
	[tilespmem:$0x1D680] =	vst v63  }
0x52: {  	s19 =	sadd.s32 $0x0, s19  }
0x53: {  	[tilespmem:s18], [sflag:$0x2] =	stream.linear.gather [hbm4b:s19+s5], $0x2710, $0x38;
	[tilespmem:$0x1D680] =	vst v63  }
0x54: {  	_ =	swait.ge [sflag:s21], $0x2710  }
0x55: {  	[sflag:s21] =	ssyncset.done $0x0  }
0x56: {  	[sflag:s21] =	ssyncadd.s32 $0xFFFFD8F0  }
0x57: {  	_ =	swait.ge [sflag:s6], $0x2710  }
0x58: {  	[sflag:s6] =	ssyncset.done $0x0  }
0x59: {  	[sflag:s6] =	ssyncadd.s32 $0xFFFFD8F0  }
0x5a: {  	[tilespmem:s26], [sflag:$0x3] =	stream.indirect.gather [spmem:s4], $0x1, s5, s25, $0xb8;
	[tilespmem:$0x1D680] =	vst v63  }
0x5b: {  	_ = 	snop  }
0x5c: {  	[tilespmem:s28], [sflag:$0x5] =	stream.indirect.gather [spmem:s4], $0x1, s25, s25, $0xb8;
	[tilespmem:$0x1D680] =	vst v63  }
0x5d: {  	_ = 	snop  }
0x5e: {  	[tilespmem:s24], [sflag:$0x7] =	stream.indirect.gather [hbm4b:s1+s22], $0x1, s23, s22, $0xb8;
	[tilespmem:$0x1D680] =	vst v63  }
0x5f: {  	_ =	swait.ge [sflag:s29], $0x1130  }
0x60: {  	[sflag:s29] =	ssyncset.done $0x0  }
0x61: {  	[sflag:s29] =	ssyncadd.s32 $0xFFFFEED0  }
0x62: {  	_ =	swait.ge [sflag:s30], $0x1130  }
0x63: {  	[sflag:s30] =	ssyncset.done $0x0  }
0x64: {  	[sflag:s30] =	ssyncadd.s32 $0xFFFFEED0  }
0x65: {  	_ =	swait.ge [sflag:s31], $0x4B0  }
0x66: {  	s16 =	rddreg [dreg:$0x13]  }
0x67: {  	[sflag:s31] =	ssyncset.done $0x0;
	s20 =	sshrl.u32 s16, $0x3  }
0x68: {  	s17 =	rddreg [dreg:$0x5];
	[sflag:s31] =	ssyncadd.s32 $0xFFFFFB50;
	s10 =	sadd.s32 s3, s20  }
0x69: {  	[hbm4b:s10+s5] =	stream.linear.scatter [tilespmem:s26], [sflag:$0x9], $0x2710, $0x38;
	[tilespmem:$0x1D680] =	vst v63  }
0x6a: {  	s20 =	sadd.s32 $0x0, s17  }
0x6b: {  	[tilespmem:s5], [sflag:$0x1] =	stream.linear.gather [hbm4b:s20+s5], $0x2710, $0x38;
	[tilespmem:$0x1D680] =	vst v63  }
0x6c: {  	_ =	swait.ge [sflag:s2], $0x2710  }
0x6d: {  	[sflag:s2] =	ssyncset.done $0x0  }
0x6e: {  	[sflag:s2] =	ssyncadd.s32 $0xFFFFD8F0  }
0x6f: {  	_ =	swait.ge [sflag:s15], $0x2710  }
0x70: {  	[sflag:s15] =	ssyncset.done $0x0  }
0x71: {  	[sflag:s15] =	ssyncadd.s32 $0xFFFFD8F0  }
0x72: {  	[tilespmem:s0], [sflag:$0x4] =	stream.indirect.gather [spmem:s4], $0x1, s18, s25, $0xb8;
	[tilespmem:$0x1D680] =	vst v63  }
0x73: {  	s19 =	sadd.s32 $0x4E20, s16;
	s10 =	simm.s32 $0x9C4  }
0x74: {  	[tilespmem:s8], [sflag:$0x6] =	stream.indirect.gather [spmem:s4], $0x1, s7, s25, $0xb8;
	[tilespmem:$0x1D680] =	vst v63  }
.LBB2_2:
0x75: {  	[tilespmem:s11], [sflag:$0x8] =	stream.indirect.gather [hbm4b:s1+s22], $0x1, s9, s22, $0xb8;
	[tilespmem:$0x1D680] =	vst v63  }
0x76: {  	_ =	swait.ge [sflag:s12], $0x1130  }
0x77: {  	[sflag:s12] =	ssyncset.done $0x0  }
0x78: {  	[sflag:s12] =	ssyncadd.s32 $0xFFFFEED0  }
0x79: {  	_ =	swait.ge [sflag:s13], $0x1130  }
0x7a: {  	[sflag:s13] =	ssyncset.done $0x0  }
0x7b: {  	[sflag:s13] =	ssyncadd.s32 $0xFFFFEED0  }
0x7c: {  	_ =	swait.ge [sflag:s14], $0x4B0  }
0x7d: {  	s20 =	smov.u32 s10;
	s17 =	rddreg [dreg:$0x7];
	[sflag:s14] =	ssyncset.done $0x0  }
0x7e: {  	s16 =	rddreg [dreg:$0x6];
	[sflag:s14] =	ssyncadd.s32 $0xFFFFFB50;
	s17 =	sadd.s32 s20, s17  }
0x7f: {  	[hbm4b:s17+s5] =	stream.linear.scatter [tilespmem:s0], [sflag:$0xA], $0x2710, $0x38;
	[tilespmem:$0x1D680] =	vst v63  }
0x80: {  	s16 =	sadd.s32 s20, s16  }
0x81: {  	[tilespmem:s18], [sflag:$0x2] =	stream.linear.gather [hbm4b:s16+s5], $0x2710, $0x38;
	[tilespmem:$0x1D680] =	vst v63  }
0x82: {  	_ =	swait.ge [sflag:s21], $0x2710  }
0x83: {  	[sflag:s21] =	ssyncset.done $0x0  }
0x84: {  	[sflag:s21] =	ssyncadd.s32 $0xFFFFD8F0  }
0x85: {  	_ =	swait.ge [sflag:s6], $0x2710  }
0x86: {  	[sflag:s6] =	ssyncset.done $0x0  }
0x87: {  	[sflag:s6] =	ssyncadd.s32 $0xFFFFD8F0  }
0x88: {  	[tilespmem:s26], [sflag:$0x3] =	stream.indirect.gather [spmem:s4], $0x1, s5, s25, $0xb8;
	[tilespmem:$0x1D680] =	vst v63  }
0x89: {  	_ = 	snop  }
0x8a: {  	[tilespmem:s28], [sflag:$0x5] =	stream.indirect.gather [spmem:s4], $0x1, s25, s25, $0xb8;
	[tilespmem:$0x1D680] =	vst v63  }
0x8b: {  	_ = 	snop  }
0x8c: {  	[tilespmem:s24], [sflag:$0x7] =	stream.indirect.gather [hbm4b:s1+s22], $0x1, s23, s22, $0xb8;
	[tilespmem:$0x1D680] =	vst v63  }
0x8d: {  	_ =	swait.ge [sflag:s29], $0x1130  }
0x8e: {  	[sflag:s29] =	ssyncset.done $0x0  }
0x8f: {  	[sflag:s29] =	ssyncadd.s32 $0xFFFFEED0  }
0x90: {  	_ =	swait.ge [sflag:s30], $0x1130  }
0x91: {  	[sflag:s30] =	ssyncset.done $0x0  }
0x92: {  	[sflag:s30] =	ssyncadd.s32 $0xFFFFEED0  }
0x93: {  	_ =	swait.ge [sflag:s31], $0x4B0  }
0x94: {  	s16 =	sshrl.u32 s19, $0x3;
	[sflag:s31] =	ssyncset.done $0x0  }
0x95: {  	s16 =	sadd.s32 s3, s16;
	s17 =	rddreg [dreg:$0x5];
	[sflag:s31] =	ssyncadd.s32 $0xFFFFFB50  }
0x96: {  	[hbm4b:s16+s5] =	stream.linear.scatter [tilespmem:s26], [sflag:$0x9], $0x2710, $0x38;
	[tilespmem:$0x1D680] =	vst v63  }
0x97: {  	s20 =	sadd.s32 s20, s17  }
0x98: {  	[tilespmem:s5], [sflag:$0x1] =	stream.linear.gather [hbm4b:s20+s5], $0x2710, $0x38;
	[tilespmem:$0x1D680] =	vst v63  }
0x99: {  	_ =	swait.ge [sflag:s2], $0x2710  }
0x9a: {  	[sflag:s2] =	ssyncset.done $0x0  }
0x9b: {  	[sflag:s2] =	ssyncadd.s32 $0xFFFFD8F0  }
0x9c: {  	p0 =	sne.s32 s10, $0xA604;
	_ =	swait.ge [sflag:s15], $0x2710  }
.Ltmp0:
0x9d: {  	[sflag:s15] =	ssyncset.done $0x0;
	(pc) =	sbr.rel @p0 .LBB2_2-.Ltmp0, $4  }
0x9e: {  	[sflag:s15] =	ssyncadd.s32 $0xFFFFD8F0  }
0x9f: {  	[tilespmem:s0], [sflag:$0x4] =	stream.indirect.gather [spmem:s4], $0x1, s18, s25, $0xb8;
	[tilespmem:$0x1D680] =	vst v63  }
0xa0: {  	s10 =	sadd.s32 $0x9C4, s10;
	s19 =	sadd.s32 $0x4E20, s19  }
0xa1: {  	[tilespmem:s8], [sflag:$0x6] =	stream.indirect.gather [spmem:s4], $0x1, s7, s25, $0xb8;
	[tilespmem:$0x1D680] =	vst v63  }
0xa2: {  	[tilespmem:s11], [sflag:$0x8] =	stream.indirect.gather [hbm4b:s1+s22], $0x1, s9, s22, $0xb8;
	[tilespmem:$0x1D680] =	vst v63  }
0xa3: {  	_ =	swait.ge [sflag:s12], $0x1130  }
0xa4: {  	[sflag:s12] =	ssyncset.done $0x0  }
0xa5: {  	[sflag:s12] =	ssyncadd.s32 $0xFFFFEED0  }
0xa6: {  	_ =	swait.ge [sflag:s13], $0x1130  }
0xa7: {  	[sflag:s13] =	ssyncset.done $0x0  }
0xa8: {  	[sflag:s13] =	ssyncadd.s32 $0xFFFFEED0  }
0xa9: {  	_ =	swait.ge [sflag:s14], $0x4B0  }
0xaa: {  	[sflag:s14] =	ssyncset.done $0x0  }
0xab: {  	s10 =	rddreg [dreg:$0x10];
	[sflag:s14] =	ssyncadd.s32 $0xFFFFFB50  }
0xac: {  	[hbm4b:s10+s5] =	stream.linear.scatter [tilespmem:s0], [sflag:$0xA], $0x2710, $0x38;
	[tilespmem:$0x1D680] =	vst v63  }
0xad: {  	s16 =	rddreg [dreg:$0x11]  }
0xae: {  	[tilespmem:s18], [sflag:$0x2] =	stream.linear.gather [hbm4b:s16+s5], $0x2710, $0x38;
	[tilespmem:$0x1D680] =	vst v63  }
0xaf: {  	_ =	swait.ge [sflag:s21], $0x2710  }
0xb0: {  	[sflag:s21] =	ssyncset.done $0x0  }
0xb1: {  	[sflag:s21] =	ssyncadd.s32 $0xFFFFD8F0  }
0xb2: {  	_ =	swait.ge [sflag:s6], $0x2710  }
0xb3: {  	[sflag:s6] =	ssyncset.done $0x0  }
0xb4: {  	[sflag:s6] =	ssyncadd.s32 $0xFFFFD8F0  }
0xb5: {  	[tilespmem:s26], [sflag:$0x3] =	stream.indirect.gather [spmem:s4], $0x1, s5, s25, $0xb8;
	[tilespmem:$0x1D680] =	vst v63  }
0xb6: {  	_ = 	snop  }
0xb7: {  	[tilespmem:s28], [sflag:$0x5] =	stream.indirect.gather [spmem:s4], $0x1, s25, s25, $0xb8;
	[tilespmem:$0x1D680] =	vst v63  }
0xb8: {  	_ = 	snop  }
0xb9: {  	[tilespmem:s24], [sflag:$0x7] =	stream.indirect.gather [hbm4b:s1+s22], $0x1, s23, s22, $0xb8;
	[tilespmem:$0x1D680] =	vst v63  }
0xba: {  	_ =	swait.ge [sflag:s29], $0x1130  }
0xbb: {  	[sflag:s29] =	ssyncset.done $0x0  }
0xbc: {  	[sflag:s29] =	ssyncadd.s32 $0xFFFFEED0  }
0xbd: {  	_ =	swait.ge [sflag:s30], $0x1130  }
0xbe: {  	[sflag:s30] =	ssyncset.done $0x0  }
0xbf: {  	[sflag:s30] =	ssyncadd.s32 $0xFFFFEED0  }
0xc0: {  	_ =	swait.ge [sflag:s31], $0x4B0  }
0xc1: {  	[sflag:s31] =	ssyncset.done $0x0  }
0xc2: {  	s17 =	rddreg [dreg:$0x12];
	[sflag:s31] =	ssyncadd.s32 $0xFFFFFB50  }
0xc3: {  	[hbm4b:s17+s5] =	stream.linear.scatter [tilespmem:s26], [sflag:$0x9], $0x2710, $0x38;
	[tilespmem:$0x1D680] =	vst v63  }
0xc4: {  	_ =	swait.ge [sflag:s2], $0x2710  }
0xc5: {  	[sflag:s2] =	ssyncset.done $0x0  }
0xc6: {  	[sflag:s2] =	ssyncadd.s32 $0xFFFFD8F0  }
0xc7: {  	_ =	swait.ge [sflag:s15], $0x2710  }
0xc8: {  	[sflag:s15] =	ssyncset.done $0x0  }
0xc9: {  	[sflag:s15] =	ssyncadd.s32 $0xFFFFD8F0  }
0xca: {  	[tilespmem:s0], [sflag:$0x4] =	stream.indirect.gather [spmem:s4], $0x1, s18, s25, $0xb8;
	[tilespmem:$0x1D680] =	vst v63  }
0xcb: {  	_ = 	snop  }
0xcc: {  	[tilespmem:s8], [sflag:$0x6] =	stream.indirect.gather [spmem:s4], $0x1, s7, s25, $0xb8;
	[tilespmem:$0x1D680] =	vst v63  }
0xcd: {  	_ = 	snop  }
0xce: {  	[tilespmem:s11], [sflag:$0x8] =	stream.indirect.gather [hbm4b:s1+s22], $0x1, s9, s22, $0xb8;
	[tilespmem:$0x1D680] =	vst v63  }
0xcf: {  	_ =	swait.ge [sflag:s12], $0x1130  }
0xd0: {  	[sflag:s12] =	ssyncset.done $0x0  }
0xd1: {  	[sflag:s12] =	ssyncadd.s32 $0xFFFFEED0  }
0xd2: {  	_ =	swait.ge [sflag:s13], $0x1130  }
0xd3: {  	[sflag:s13] =	ssyncset.done $0x0  }
0xd4: {  	[sflag:s13] =	ssyncadd.s32 $0xFFFFEED0  }
0xd5: {  	_ =	swait.ge [sflag:s14], $0x4B0  }
0xd6: {  	[sflag:s14] =	ssyncset.done $0x0  }
0xd7: {  	s19 =	rddreg [dreg:$0xe];
	[sflag:s14] =	ssyncadd.s32 $0xFFFFFB50  }
0xd8: {  	[hbm4b:s19+s5] =	stream.linear.scatter [tilespmem:s0], [sflag:$0xA], $0x2710, $0x38;
	[tilespmem:$0x1D680] =	vst v63  }
0xd9: {  	_ =	swait.ge [sflag:s6], $0x2710  }
0xda: {  	[sflag:s6] =	ssyncset.done $0x0  }
0xdb: {  	[sflag:s6] =	ssyncadd.s32 $0xFFFFD8F0  }
0xdc: {  	_ =	swait.ge [sflag:s15], $0x2710  }
0xdd: {  	s16 =	rddreg [dreg:$0x15]  }
0xde: {  	s20 =	rddreg [dreg:$0xf];
	s16 =	sadd.s32 $0x1, s16  }
0xdf: {  	p0 =	sne.s32 s16, s20  }
.Ltmp1:
0xe0: {  	_ = 	snop;
	(pc) =	sbr.rel @p0 .LBB2_1-.Ltmp1, $3  }
0xe1: {  	_ =	sdelay $0x1  }
0xe2: {  	[sflag:s15] =	ssyncset.done $0x0  }
0xe3: {  	[sflag:s15] =	ssyncadd.s32 $0xFFFFD8F0  }
0xe4: {  	_ =	sfence.sel $0x180000  }
0xe5: {  	[bflag:$0x0] =	sbarrier.arrive $0xFFFF  }
0xe6: {  	_ =	strace $0x90000047  }
0xe7: {  	s0 =	stileid.u32;
	[bflag:$0x2] =	sbarrier.arrive $0xFFFF  }
0xe8: {  	p0 =	sne.s32 s0, $0x0;
	s0 =	rddreg [dreg:$0x4]  }
0xe9: {  	s0 =	sadd.s32 @!p0 $0x100000, s0  }
0xea: {  	[sflag:s0] =	ssyncadd.tile.s32 @!p0 $0x1;
	_ =	shalt  }
.Lfunc_end2:
_tile_overlayer_lowered:
.L_overlay_start_2:
0xeb: {  	(tag) =	ssettag $0x2  }
0xec: {  	s0 =	rddreg [dreg:$0x0];
	s2 =	stileid.u32  }
0xed: {  	s1 =	rddreg [dreg:$0x1];
	p0 =	sne.s32 s2, $0x0  }
0xee: {  	s3 =	rddreg [dreg:$0x2];
	[bflag:$0x3] =	sbarrier.arrive $0xFFFF;
	s2 =	simm.s32 @!p0 $0x1C0B  }
0xef: {  	[timem:s3], [sflag:s2] =	dma.local @!p0 [hbm:s0], s1  }
0xf0: {  	s0 =	simm.s32 @!p0 $0xB  }
0xf1: {  	_ =	swait.ge @!p0 [sflag:s0], s1  }
0xf2: {  	s1 =	ssub.s32 @!p0 $0x0, s1;
	[sflag:s0] =	ssyncset.done @!p0 $0x0  }
0xf3: {  	[sflag:s0] =	ssyncadd.s32 @!p0 s1  }
0xf4: {  	[bflag:$0x3] =	sbarrier.arrive $0xFFFF  }
0xf5: {  	_ =	shalt  }

</sc_bundles>
